<compile_context>
chip_gen: v7x
topology: tpu7x:2x2x1
jax: 0.10.2.dev20260603
libtpu: 0.0.44.dev20260713+nightly
codegen_flags: <defaults>
</compile_context>

<pallas_src>
import functools

import jax
import jax.numpy as jnp
from jax import lax
from jax.experimental import pallas as pl
from jax.experimental.pallas import tpu as pltpu
from jax.experimental.pallas import tpu_sc as plsc

N_NODES = 10000
N_EDGES = 320000
D = 128

NC = 2
NS = 16
NW = NC * NS
CHUNK = 128
NCHUNK = 80
NCHUNK_C0 = 154
NCHUNK_C1 = 6
E_PAD = NW * NCHUNK * CHUNK
TOT_CHUNKS = NW * NCHUNK
N_PAD = 10240
ROWS_PER_SUB = N_PAD // NS
DEGW = 128

_mesh = plsc.VectorSubcoreMesh(core_axis_name="c", subcore_axis_name="s")



@functools.partial(
    pl.kernel,
    out_type=jax.ShapeDtypeStruct((NC, N_PAD, DEGW), jnp.float32),
    mesh=_mesh,
    scratch_types=[
        pltpu.VMEM((CHUNK,), jnp.int32),
        pltpu.VMEM((CHUNK,), jnp.int32),
        pltpu.VMEM((CHUNK,), jnp.int32),
        pltpu.VMEM((CHUNK,), jnp.int32),
        pltpu.VMEM((CHUNK, DEGW), jnp.float32),
        pltpu.VMEM_SHARED((N_PAD, DEGW), jnp.float32),
        pltpu.SemaphoreType.DMA,
        pltpu.SemaphoreType.DMA,
        pltpu.SemaphoreType.DMA,
        pltpu.SemaphoreType.DMA,
    ],
)
def _sc_degree(dst_hbm, zeros_hbm, ones_hbm, out_hbm, di0, di1, di2, di3,
               ones_v, acc_sh, sem0, sem1, sem2, sem3):
    c = lax.axis_index("c")
    s = lax.axis_index("s")
    w = c * NS + s
    base = w * NCHUNK * CHUNK
    pltpu.sync_copy(zeros_hbm.at[pl.ds(s * ROWS_PER_SUB, ROWS_PER_SUB)],
                    acc_sh.at[pl.ds(s * ROWS_PER_SUB, ROWS_PER_SUB)])
    pltpu.sync_copy(ones_hbm, ones_v)
    plsc.subcore_barrier()

    nquad = NCHUNK // 4
    pltpu.sync_copy(dst_hbm.at[pl.ds(base, CHUNK)], di0)
    pltpu.async_copy(ones_v, acc_sh.at[di0], sem0, add=True)

    def body(p, carry):
        j0 = 4 * p
        pltpu.sync_copy(dst_hbm.at[pl.ds(base + (j0 + 1) * CHUNK, CHUNK)], di1)
        pltpu.async_copy(ones_v, acc_sh.at[di1], sem1, add=True)
        pltpu.sync_copy(dst_hbm.at[pl.ds(base + (j0 + 2) * CHUNK, CHUNK)], di2)
        pltpu.async_copy(ones_v, acc_sh.at[di2], sem2, add=True)
        pltpu.sync_copy(dst_hbm.at[pl.ds(base + (j0 + 3) * CHUNK, CHUNK)], di3)
        pltpu.async_copy(ones_v, acc_sh.at[di3], sem3, add=True)
        pltpu.make_async_copy(ones_v, acc_sh.at[di0], sem0).wait()

        @pl.when(p < nquad - 1)
        def _():
            pltpu.sync_copy(dst_hbm.at[pl.ds(base + (j0 + 4) * CHUNK, CHUNK)], di0)
            pltpu.async_copy(ones_v, acc_sh.at[di0], sem0, add=True)

        pltpu.make_async_copy(ones_v, acc_sh.at[di1], sem1).wait()
        pltpu.make_async_copy(ones_v, acc_sh.at[di2], sem2).wait()
        pltpu.make_async_copy(ones_v, acc_sh.at[di3], sem3).wait()
        return carry

    lax.fori_loop(0, nquad, body, 0)
    plsc.subcore_barrier()
    pltpu.sync_copy(acc_sh.at[pl.ds(s * ROWS_PER_SUB, ROWS_PER_SUB)],
                    out_hbm.at[c, pl.ds(s * ROWS_PER_SUB, ROWS_PER_SUB)])


@functools.partial(
    pl.kernel,
    out_type=jax.ShapeDtypeStruct((NC, N_PAD, D), jnp.float32),
    mesh=_mesh,
    scratch_types=[
        pltpu.VMEM((CHUNK,), jnp.int32),
        pltpu.VMEM((CHUNK,), jnp.int32),
        pltpu.VMEM((CHUNK,), jnp.int32),
        pltpu.VMEM((CHUNK,), jnp.int32),
        pltpu.VMEM((CHUNK, D), jnp.float32),
        pltpu.VMEM((CHUNK, D), jnp.float32),
        pltpu.VMEM_SHARED((N_PAD, D), jnp.float32),
        pltpu.SemaphoreType.DMA,
        pltpu.SemaphoreType.DMA,
    ],
)
def _sc_scatter(h_hbm, src_hbm, dst_hbm, zeros_hbm, out_hbm,
                si0, di0, si1, di1, rows0, rows1, acc_sh, sem0, sem1):
    c = lax.axis_index("c")
    s = lax.axis_index("s")
    nchunk = jnp.where(c == 0, NCHUNK_C0, NCHUNK_C1)
    base = jnp.where(c == 0, s * NCHUNK_C0,
                     NS * NCHUNK_C0 + s * NCHUNK_C1) * CHUNK
    pltpu.sync_copy(zeros_hbm.at[pl.ds(s * ROWS_PER_SUB, ROWS_PER_SUB)],
                    acc_sh.at[pl.ds(s * ROWS_PER_SUB, ROWS_PER_SUB)])
    plsc.subcore_barrier()

    npair = nchunk // 2

    @pl.when(nchunk > 0)
    def _run():
        pltpu.sync_copy(src_hbm.at[pl.ds(base, CHUNK)], si0)
        pltpu.sync_copy(dst_hbm.at[pl.ds(base, CHUNK)], di0)
        pltpu.async_copy(h_hbm.at[si0], rows0, sem0)

        def body(p, carry):
            j1 = 2 * p + 1
            pltpu.sync_copy(src_hbm.at[pl.ds(base + j1 * CHUNK, CHUNK)], si1)
            pltpu.sync_copy(dst_hbm.at[pl.ds(base + j1 * CHUNK, CHUNK)], di1)
            pltpu.async_copy(h_hbm.at[si1], rows1, sem1)
            pltpu.make_async_copy(h_hbm.at[si0], rows0, sem0).wait()
            pltpu.sync_copy(rows0, acc_sh.at[di0], add=True)

            @pl.when(p < npair - 1)
            def _():
                pltpu.sync_copy(src_hbm.at[pl.ds(base + (j1 + 1) * CHUNK, CHUNK)], si0)
                pltpu.sync_copy(dst_hbm.at[pl.ds(base + (j1 + 1) * CHUNK, CHUNK)], di0)
                pltpu.async_copy(h_hbm.at[si0], rows0, sem0)

            pltpu.make_async_copy(h_hbm.at[si1], rows1, sem1).wait()
            pltpu.sync_copy(rows1, acc_sh.at[di1], add=True)
            return carry

        lax.fori_loop(0, npair, body, 0)
    plsc.subcore_barrier()
    pltpu.sync_copy(acc_sh.at[pl.ds(s * ROWS_PER_SUB, ROWS_PER_SUB)],
                    out_hbm.at[c, pl.ds(s * ROWS_PER_SUB, ROWS_PER_SUB)])



BLK = 512
GRID = N_PAD // BLK


def _dinv(d_ref):
    return lax.rsqrt(d_ref[0, :, 0:1] + d_ref[1, :, 0:1] + 1.0)


def _tc_h1_body(x_ref, w_ref, deg_ref, o_ref):
    h = jnp.dot(x_ref[...], w_ref[...], preferred_element_type=jnp.float32)
    o_ref[...] = h * _dinv(deg_ref)


def _tc_mid_body(acc_ref, h1s_ref, deg_ref, w_ref, b_ref, o_ref):
    dinv = _dinv(deg_ref)
    z = (acc_ref[0] + acc_ref[1] + h1s_ref[...]) * dinv + b_ref[...]
    r = jnp.maximum(z, 0.0)
    o_ref[...] = jnp.dot(r, w_ref[...], preferred_element_type=jnp.float32) * dinv


def _tc_out_body(acc_ref, h2s_ref, deg_ref, b_ref, o_ref):
    dinv = _dinv(deg_ref)
    o_ref[...] = (acc_ref[0] + acc_ref[1] + h2s_ref[...]) * dinv + b_ref[...]


_row_spec = pl.BlockSpec((BLK, D), lambda i: (i, 0))
_deg_spec = pl.BlockSpec((NC, BLK, DEGW), lambda i: (0, i, 0))
_acc_spec = pl.BlockSpec((NC, BLK, D), lambda i: (0, i, 0))
_w_spec = pl.BlockSpec((D, D), lambda i: (0, 0))
_b_spec = pl.BlockSpec((1, D), lambda i: (0, 0))
_row_out = jax.ShapeDtypeStruct((N_PAD, D), jnp.float32)

_tc_h1 = pl.pallas_call(
    _tc_h1_body, grid=(GRID,),
    in_specs=[_row_spec, _w_spec, _deg_spec],
    out_specs=_row_spec, out_shape=_row_out)

_tc_mid = pl.pallas_call(
    _tc_mid_body, grid=(GRID,),
    in_specs=[_acc_spec, _row_spec, _deg_spec, _w_spec, _b_spec],
    out_specs=_row_spec, out_shape=_row_out)

_tc_out = pl.pallas_call(
    _tc_out_body, grid=(GRID,),
    in_specs=[_acc_spec, _row_spec, _deg_spec, _b_spec],
    out_specs=_row_spec, out_shape=_row_out)



@jax.jit
def kernel(x, edge_index, W1, b1, W2, b2):
    src = edge_index[0].astype(jnp.int32)
    dst = edge_index[1].astype(jnp.int32)
    pad = E_PAD - N_EDGES
    src_p = jnp.concatenate([src, jnp.zeros((pad,), jnp.int32)])
    pad_rows = N_NODES + jnp.arange(pad, dtype=jnp.int32) % (N_PAD - N_NODES)
    dst_p = jnp.concatenate([dst, pad_rows])

    x_p = jnp.zeros((N_PAD, D), jnp.float32).at[:N_NODES].set(x)
    zeros_deg = jnp.zeros((N_PAD, DEGW), jnp.float32)
    zeros_acc = jnp.zeros((N_PAD, D), jnp.float32)
    ones_deg = jnp.ones((CHUNK, DEGW), jnp.float32)

    deg = _sc_degree(dst_p, zeros_deg, ones_deg)
    h1s = _tc_h1(x_p, W1, deg)
    acc1 = _sc_scatter(h1s, src_p, dst_p, zeros_acc)
    h2s = _tc_mid(acc1, h1s, deg, W2, b1.reshape(1, D))
    acc2 = _sc_scatter(h2s, src_p, dst_p, zeros_acc)
    out = _tc_out(acc2, h2s, deg, b2.reshape(1, D))
    return out[:N_NODES]

# --- scband reference (transcript-rebuilt; emitter-appended) ---
"""Pipeline reference for scband-gnn-11484742549910 (READ-ONLY COPY).

The authoritative reference and input builder live on the scoring server;
editing this copy changes nothing except your own understanding.
"""

import jax, jax.numpy as jnp
import numpy as np

N_NODES = 10000
N_EDGES = 320000
D_IN = 128
D_HID = 128
D_OUT = 128


def setup_inputs(seed: int = 0) -> dict:
    key = jax.random.key(seed)
    k1, k2, k3, k4, k5, k6 = jax.random.split(key, 6)
    x = jax.random.normal(k1, (N_NODES, D_IN), dtype=jnp.float32)
    edge_index = jax.random.randint(k2, (2, N_EDGES), 0, N_NODES, dtype=jnp.int64)
    # GCNConv layer 1 params (PyG: glorot weight, zero bias; use small random here)
    W1 = jax.random.normal(k3, (D_IN, D_HID), dtype=jnp.float32) * (1.0 / np.sqrt(D_IN))
    b1 = jnp.zeros((D_HID,), dtype=jnp.float32)
    W2 = jax.random.normal(k4, (D_HID, D_OUT), dtype=jnp.float32) * (1.0 / np.sqrt(D_HID))
    b2 = jnp.zeros((D_OUT,), dtype=jnp.float32)
    return {"x": x, "edge_index": edge_index, "W1": W1, "b1": b1, "W2": W2, "b2": b2}


def _gcn_layer(x, src, dst, W, b, n_nodes):
    # GCNConv with normalize=True, improved=False, add_self_loops=True
    h = x @ W
    loop = jnp.arange(n_nodes, dtype=src.dtype)
    src2 = jnp.concatenate([src, loop])
    dst2 = jnp.concatenate([dst, loop])
    deg = jnp.zeros((n_nodes,), dtype=h.dtype).at[dst2].add(1.0)
    dinv = jnp.where(deg > 0, deg ** -0.5, 0.0)
    norm = dinv[src2] * dinv[dst2]
    msgs = h[src2] * norm[:, None]
    out = jax.ops.segment_sum(msgs, dst2, num_segments=n_nodes)
    return out + b


def reference(x, edge_index, W1, b1, W2, b2):
    # eval mode: edge_drop=0.0 and dropout=0.0 are no-ops
    src = edge_index[0]
    dst = edge_index[1]
    h = _gcn_layer(x, src, dst, W1, b1, N_NODES)
    h = jax.nn.relu(h)
    out = _gcn_layer(h, src, dst, W2, b2, N_NODES)
    return out

if __name__ == "__main__":
    import jax
    _d = setup_inputs()
    print(jax.jit(kernel)(*tuple(_d.values())))

</pallas_src>

<mosaic_0001>
#map = affine_map<(d0, d1) -> (0, 0)>
#map1 = affine_map<(d0, d1) -> (0)>
#map2 = affine_map<(d0, d1) -> (0, 0, 0)>
module attributes {stable_mosaic.version = 14 : i64} {
  func.func @_sc_scatter(%arg0: i32, %arg1: i32, %arg2: memref<10240x128xf32, #tpu.memory_space<hbm>>, %arg3: memref<327680xi32, #tpu.memory_space<hbm>>, %arg4: memref<327680xi32, #tpu.memory_space<hbm>>, %arg5: memref<10240x128xf32, #tpu.memory_space<hbm>>, %arg6: memref<2x10240x128xf32, #tpu.memory_space<hbm>>, %arg7: memref<128xi32, #tpu.memory_space<vmem>>, %arg8: memref<128xi32, #tpu.memory_space<vmem>>, %arg9: memref<128xi32, #tpu.memory_space<vmem>>, %arg10: memref<128xi32, #tpu.memory_space<vmem>>, %arg11: memref<128x128xf32, #tpu.memory_space<vmem>>, %arg12: memref<128x128xf32, #tpu.memory_space<vmem>>, %arg13: memref<10240x128xf32, #tpu.memory_space<vmem_shared>>, %arg14: memref<!tpu.dma_semaphore, #tpu.memory_space<semaphore_mem>>, %arg15: memref<!tpu.dma_semaphore, #tpu.memory_space<semaphore_mem>>) attributes {dimension_semantics = [#tpu.dimension_semantics<core_parallel>, #tpu.dimension_semantics<subcore_parallel>], iteration_bounds = array<i64: 2, 16>, scalar_prefetch = 0 : i64, scratch_operands = 9 : i64, tpu.core_type = #tpu.core_type<sc_vector_subcore>, window_params = [{transform_indices = #map}, {transform_indices = #map1}, {transform_indices = #map1}, {transform_indices = #map}, {transform_indices = #map2}]} {
    %eq3A = arith.constant 0 : i32
    %eq3A_0 = arith.cmpi eq, %arg0, %eq3A : i32
    %jit3A = arith.constant 154 : i32
    %jit3A_1 = arith.constant 6 : i32
    %select_n3A = arith.select %eq3A_0, %jit3A, %jit3A_1 : i32
    %eq3A_2 = arith.constant 0 : i32
    %eq3A_3 = arith.cmpi eq, %arg0, %eq3A_2 : i32
    %mul3A = arith.constant 154 : i32
    %mul3A_4 = arith.muli %arg1, %mul3A : i32
    %mul3A_5 = arith.constant 6 : i32
    %mul3A_6 = arith.muli %arg1, %mul3A_5 : i32
    %add3A = arith.constant 2464 : i32
    %add3A_7 = arith.addi %add3A, %mul3A_6 : i32
    %select_n3A_8 = arith.select %eq3A_3, %mul3A_4, %add3A_7 : i32
    %mul3A_9 = arith.constant 128 : i32
    %mul3A_10 = arith.muli %select_n3A_8, %mul3A_9 : i32
    %mul3A_11 = arith.constant 640 : i32
    %mul3A_12 = arith.muli %arg1, %mul3A_11 : i32
    %mul3A_13 = arith.constant 640 : i32
    %mul3A_14 = arith.muli %arg1, %mul3A_13 : i32
    "tpu.region"() ({
      %run_scoped3A = tpu.sem_alloc : memref<!tpu.dma_semaphore, #tpu.memory_space<semaphore_mem>>
      %dma_start3A = arith.constant 0 : i32
      %dma_start3A_40 = tpu.memref_slice %arg13[%mul3A_14, %dma_start3A] : memref<10240x128xf32, #tpu.memory_space<vmem_shared>> -> memref<640x128xf32, #tpu.memory_space<vmem_shared>>
      %dma_start3A_41 = arith.constant 0 : i32
      %dma_start3A_42 = tpu.memref_slice %arg5[%mul3A_12, %dma_start3A_41] : memref<10240x128xf32, #tpu.memory_space<hbm>> -> memref<640x128xf32, #tpu.memory_space<hbm>>
      tpu.enqueue_dma source(%dma_start3A_42 : memref<640x128xf32, #tpu.memory_space<hbm>>) target(%dma_start3A_40 : memref<640x128xf32, #tpu.memory_space<vmem_shared>>) target_semaphore(%run_scoped3A : memref<!tpu.dma_semaphore, #tpu.memory_space<semaphore_mem>>)
      %dma_wait3A = arith.constant 0 : i32
      %dma_wait3A_43 = tpu.memref_slice %arg13[%mul3A_14, %dma_wait3A] : memref<10240x128xf32, #tpu.memory_space<vmem_shared>> -> memref<640x128xf32, #tpu.memory_space<vmem_shared>>
      %dma_wait3A_44 = arith.constant 0 : i32
      %dma_wait3A_45 = tpu.memref_slice %arg5[%mul3A_12, %dma_wait3A_44] : memref<10240x128xf32, #tpu.memory_space<hbm>> -> memref<640x128xf32, #tpu.memory_space<hbm>>
      tpu.wait_dma2 semaphore(%run_scoped3A : memref<!tpu.dma_semaphore, #tpu.memory_space<semaphore_mem>>) src(%dma_wait3A_45 : memref<640x128xf32, #tpu.memory_space<hbm>>) dst(%dma_wait3A_43 : memref<640x128xf32, #tpu.memory_space<vmem_shared>>)
      tpu.yield
    }) : () -> ()
    %barrier3A = arith.constant 0 : index
    tpu.barrier barrier_id(%barrier3A)
    %jit3A_15 = arith.constant 2 : i32
    %div3A = arith.divsi %select_n3A, %jit3A_15 : i32
    %sign3A = arith.constant 0 : i32
    %sign3A_16 = arith.cmpi sgt, %select_n3A, %sign3A : i32
    %sign3A_17 = arith.extui %sign3A_16 : i1 to i32
    %sign3A_18 = arith.constant 0 : i32
    %sign3A_19 = arith.cmpi slt, %select_n3A, %sign3A_18 : i32
    %sign3A_20 = arith.extui %sign3A_19 : i1 to i32
    %sign3A_21 = arith.subi %sign3A_17, %sign3A_20 : i32
    %sign3A_22 = arith.constant 0 : i32
    %sign3A_23 = arith.cmpi sgt, %jit3A_15, %sign3A_22 : i32
    %sign3A_24 = arith.extui %sign3A_23 : i1 to i32
    %sign3A_25 = arith.constant 0 : i32
    %sign3A_26 = arith.cmpi slt, %jit3A_15, %sign3A_25 : i32
    %sign3A_27 = arith.extui %sign3A_26 : i1 to i32
    %sign3A_28 = arith.subi %sign3A_24, %sign3A_27 : i32
    %ne3A = arith.cmpi ne, %sign3A_21, %sign3A_28 : i32
    %rem3A = arith.remsi %select_n3A, %jit3A_15 : i32
    %ne3A_29 = arith.constant 0 : i32
    %ne3A_30 = arith.cmpi ne, %rem3A, %ne3A_29 : i32
    %and3A = arith.andi %ne3A, %ne3A_30 : i1
    %sub3A = arith.constant 1 : i32
    %sub3A_31 = arith.subi %div3A, %sub3A : i32
    %select_n3A_32 = arith.select %and3A, %sub3A_31, %div3A : i32
    %gt3A = arith.constant 0 : i32
    %gt3A_33 = arith.cmpi sgt, %select_n3A, %gt3A : i32
    %convert_element_type3A = arith.extui %gt3A_33 : i1 to i32
    %cond3A = arith.constant 0 : i32
    %cond3A_34 = arith.cmpi ne, %convert_element_type3A, %cond3A : i32
    scf.if %cond3A_34 {
      "tpu.region"() ({
        %run_scoped3A = tpu.sem_alloc : memref<!tpu.dma_semaphore, #tpu.memory_space<semaphore_mem>>
        %dma_start3A_51 = tpu.memref_slice %arg3[%mul3A_10] : memref<327680xi32, #tpu.memory_space<hbm>> -> memref<128xi32, #tpu.memory_space<hbm>>
        %dma_start3A_52 = tpu.memref_slice %arg3[%mul3A_10] : memref<327680xi32, #tpu.memory_space<hbm>> -> memref<128xi32, #tpu.memory_space<hbm>>
        tpu.enqueue_dma source(%dma_start3A_52 : memref<128xi32, #tpu.memory_space<hbm>>) target(%arg7 : memref<128xi32, #tpu.memory_space<vmem>>) target_semaphore(%run_scoped3A : memref<!tpu.dma_semaphore, #tpu.memory_space<semaphore_mem>>)
        %dma_wait3A = tpu.memref_slice %arg3[%mul3A_10] : memref<327680xi32, #tpu.memory_space<hbm>> -> memref<128xi32, #tpu.memory_space<hbm>>
        %dma_wait3A_53 = tpu.memref_slice %arg3[%mul3A_10] : memref<327680xi32, #tpu.memory_space<hbm>> -> memref<128xi32, #tpu.memory_space<hbm>>
        tpu.wait_dma2 semaphore(%run_scoped3A : memref<!tpu.dma_semaphore, #tpu.memory_space<semaphore_mem>>) src(%dma_wait3A_53 : memref<128xi32, #tpu.memory_space<hbm>>) dst(%arg7 : memref<128xi32, #tpu.memory_space<vmem>>)
        tpu.yield
      }) : () -> ()
      "tpu.region"() ({
        %run_scoped3A = tpu.sem_alloc : memref<!tpu.dma_semaphore, #tpu.memory_space<semaphore_mem>>
        %dma_start3A_51 = tpu.memref_slice %arg4[%mul3A_10] : memref<327680xi32, #tpu.memory_space<hbm>> -> memref<128xi32, #tpu.memory_space<hbm>>
        %dma_start3A_52 = tpu.memref_slice %arg4[%mul3A_10] : memref<327680xi32, #tpu.memory_space<hbm>> -> memref<128xi32, #tpu.memory_space<hbm>>
        tpu.enqueue_dma source(%dma_start3A_52 : memref<128xi32, #tpu.memory_space<hbm>>) target(%arg8 : memref<128xi32, #tpu.memory_space<vmem>>) target_semaphore(%run_scoped3A : memref<!tpu.dma_semaphore, #tpu.memory_space<semaphore_mem>>)
        %dma_wait3A = tpu.memref_slice %arg4[%mul3A_10] : memref<327680xi32, #tpu.memory_space<hbm>> -> memref<128xi32, #tpu.memory_space<hbm>>
        %dma_wait3A_53 = tpu.memref_slice %arg4[%mul3A_10] : memref<327680xi32, #tpu.memory_space<hbm>> -> memref<128xi32, #tpu.memory_space<hbm>>
        tpu.wait_dma2 semaphore(%run_scoped3A : memref<!tpu.dma_semaphore, #tpu.memory_space<semaphore_mem>>) src(%dma_wait3A_53 : memref<128xi32, #tpu.memory_space<hbm>>) dst(%arg8 : memref<128xi32, #tpu.memory_space<vmem>>)
        tpu.yield
      }) : () -> ()
      %dma_start3A = arith.constant 0 : i32
      %dma_start3A_40 = arith.constant 0 : i32
      %dma_start3A_41 = tpu.memref_slice %arg2[%dma_start3A, %dma_start3A_40] : memref<10240x128xf32, #tpu.memory_space<hbm>> -> memref<10240x128xf32, #tpu.memory_space<hbm>>
      tpu.enqueue_indirect_dma source(%dma_start3A_41 : memref<10240x128xf32, #tpu.memory_space<hbm>>) target(%arg11 : memref<128x128xf32, #tpu.memory_space<vmem>>) offsets(%arg7 : memref<128xi32, #tpu.memory_space<vmem>>) semaphore(%arg14 : memref<!tpu.dma_semaphore, #tpu.memory_space<semaphore_mem>>)
      %while3A = arith.constant 0 : i32
      %while3A_42 = arith.constant 0 : i32
      %while3A_43 = arith.subi %select_n3A_32, %while3A_42 : i32
      %while3A_44 = arith.addi %while3A_42, %while3A_43 : i32
      %while3A_45 = arith.constant 1 : i32
      %while3A_46 = arith.divsi %while3A_43, %while3A_45 : i32
      %while3A_47 = arith.muli %while3A_46, %while3A_45 : i32
      %while3A_48 = arith.addi %while3A_42, %while3A_47 : i32
      %while3A_49 = arith.constant 1 : i32
      scf.for %while3A_51 = %while3A_42 to %while3A_48 step %while3A_49  : i32 {
        %mul3A_52 = arith.constant 2 : i32
        %mul3A_53 = arith.muli %mul3A_52, %while3A_51 : i32
        %add3A_54 = arith.constant 1 : i32
        %add3A_55 = arith.addi %mul3A_53, %add3A_54 : i32
        %mul3A_56 = arith.constant 128 : i32
        %mul3A_57 = arith.muli %add3A_55, %mul3A_56 : i32
        %add3A_58 = arith.addi %mul3A_10, %mul3A_57 : i32
        "tpu.region"() ({
          %run_scoped3A = tpu.sem_alloc : memref<!tpu.dma_semaphore, #tpu.memory_space<semaphore_mem>>
          %dma_start3A_75 = tpu.memref_slice %arg3[%add3A_58] : memref<327680xi32, #tpu.memory_space<hbm>> -> memref<128xi32, #tpu.memory_space<hbm>>
          %dma_start3A_76 = tpu.memref_slice %arg3[%add3A_58] : memref<327680xi32, #tpu.memory_space<hbm>> -> memref<128xi32, #tpu.memory_space<hbm>>
          tpu.enqueue_dma source(%dma_start3A_76 : memref<128xi32, #tpu.memory_space<hbm>>) target(%arg9 : memref<128xi32, #tpu.memory_space<vmem>>) target_semaphore(%run_scoped3A : memref<!tpu.dma_semaphore, #tpu.memory_space<semaphore_mem>>)
          %dma_wait3A_77 = tpu.memref_slice %arg3[%add3A_58] : memref<327680xi32, #tpu.memory_space<hbm>> -> memref<128xi32, #tpu.memory_space<hbm>>
          %dma_wait3A_78 = tpu.memref_slice %arg3[%add3A_58] : memref<327680xi32, #tpu.memory_space<hbm>> -> memref<128xi32, #tpu.memory_space<hbm>>
          tpu.wait_dma2 semaphore(%run_scoped3A : memref<!tpu.dma_semaphore, #tpu.memory_space<semaphore_mem>>) src(%dma_wait3A_78 : memref<128xi32, #tpu.memory_space<hbm>>) dst(%arg9 : memref<128xi32, #tpu.memory_space<vmem>>)
          tpu.yield
        }) : () -> ()
        %mul3A_59 = arith.constant 128 : i32
        %mul3A_60 = arith.muli %add3A_55, %mul3A_59 : i32
        %add3A_61 = arith.addi %mul3A_10, %mul3A_60 : i32
        "tpu.region"() ({
          %run_scoped3A = tpu.sem_alloc : memref<!tpu.dma_semaphore, #tpu.memory_space<semaphore_mem>>
          %dma_start3A_75 = tpu.memref_slice %arg4[%add3A_61] : memref<327680xi32, #tpu.memory_space<hbm>> -> memref<128xi32, #tpu.memory_space<hbm>>
          %dma_start3A_76 = tpu.memref_slice %arg4[%add3A_61] : memref<327680xi32, #tpu.memory_space<hbm>> -> memref<128xi32, #tpu.memory_space<hbm>>
          tpu.enqueue_dma source(%dma_start3A_76 : memref<128xi32, #tpu.memory_space<hbm>>) target(%arg10 : memref<128xi32, #tpu.memory_space<vmem>>) target_semaphore(%run_scoped3A : memref<!tpu.dma_semaphore, #tpu.memory_space<semaphore_mem>>)
          %dma_wait3A_77 = tpu.memref_slice %arg4[%add3A_61] : memref<327680xi32, #tpu.memory_space<hbm>> -> memref<128xi32, #tpu.memory_space<hbm>>
          %dma_wait3A_78 = tpu.memref_slice %arg4[%add3A_61] : memref<327680xi32, #tpu.memory_space<hbm>> -> memref<128xi32, #tpu.memory_space<hbm>>
          tpu.wait_dma2 semaphore(%run_scoped3A : memref<!tpu.dma_semaphore, #tpu.memory_space<semaphore_mem>>) src(%dma_wait3A_78 : memref<128xi32, #tpu.memory_space<hbm>>) dst(%arg10 : memref<128xi32, #tpu.memory_space<vmem>>)
          tpu.yield
        }) : () -> ()
        %dma_start3A_62 = arith.constant 0 : i32
        %dma_start3A_63 = arith.constant 0 : i32
        %dma_start3A_64 = tpu.memref_slice %arg2[%dma_start3A_62, %dma_start3A_63] : memref<10240x128xf32, #tpu.memory_space<hbm>> -> memref<10240x128xf32, #tpu.memory_space<hbm>>
        tpu.enqueue_indirect_dma source(%dma_start3A_64 : memref<10240x128xf32, #tpu.memory_space<hbm>>) target(%arg12 : memref<128x128xf32, #tpu.memory_space<vmem>>) offsets(%arg9 : memref<128xi32, #tpu.memory_space<vmem>>) semaphore(%arg15 : memref<!tpu.dma_semaphore, #tpu.memory_space<semaphore_mem>>)
        %dma_wait3A = arith.constant 0 : i32
        %dma_wait3A_65 = arith.constant 0 : i32
        %dma_wait3A_66 = tpu.memref_slice %arg2[%dma_wait3A, %dma_wait3A_65] : memref<10240x128xf32, #tpu.memory_space<hbm>> -> memref<10240x128xf32, #tpu.memory_space<hbm>>
        tpu.wait_indirect_dma semaphore(%arg14 : memref<!tpu.dma_semaphore, #tpu.memory_space<semaphore_mem>>) src(%dma_wait3A_66 : memref<10240x128xf32, #tpu.memory_space<hbm>>) dst(%arg11 : memref<128x128xf32, #tpu.memory_space<vmem>>)
        "tpu.region"() ({
          %run_scoped3A = tpu.sem_alloc : memref<!tpu.dma_semaphore, #tpu.memory_space<semaphore_mem>>
          %dma_start3A_75 = arith.constant 0 : i32
          %dma_start3A_76 = arith.constant 0 : i32
          %dma_start3A_77 = tpu.memref_slice %arg13[%dma_start3A_75, %dma_start3A_76] : memref<10240x128xf32, #tpu.memory_space<vmem_shared>> -> memref<10240x128xf32, #tpu.memory_space<vmem_shared>>
          tpu.enqueue_indirect_dma source(%arg11 : memref<128x128xf32, #tpu.memory_space<vmem>>) target(%dma_start3A_77 : memref<10240x128xf32, #tpu.memory_space<vmem_shared>>) offsets(%arg8 : memref<128xi32, #tpu.memory_space<vmem>>) semaphore(%run_scoped3A : memref<!tpu.dma_semaphore, #tpu.memory_space<semaphore_mem>>) {add = true}
          %dma_wait3A_78 = arith.constant 0 : i32
          %dma_wait3A_79 = arith.constant 0 : i32
          %dma_wait3A_80 = tpu.memref_slice %arg13[%dma_wait3A_78, %dma_wait3A_79] : memref<10240x128xf32, #tpu.memory_space<vmem_shared>> -> memref<10240x128xf32, #tpu.memory_space<vmem_shared>>
          tpu.wait_indirect_dma semaphore(%run_scoped3A : memref<!tpu.dma_semaphore, #tpu.memory_space<semaphore_mem>>) src(%arg11 : memref<128x128xf32, #tpu.memory_space<vmem>>) dst(%dma_wait3A_80 : memref<10240x128xf32, #tpu.memory_space<vmem_shared>>)
          tpu.yield
        }) : () -> ()
        %sub3A_67 = arith.constant 1 : i32
        %sub3A_68 = arith.subi %select_n3A_32, %sub3A_67 : i32
        %lt3A = arith.cmpi slt, %while3A_51, %sub3A_68 : i32
        %convert_element_type3A_69 = arith.extui %lt3A : i1 to i32
        %cond3A_70 = arith.constant 0 : i32
        %cond3A_71 = arith.cmpi ne, %convert_element_type3A_69, %cond3A_70 : i32
        scf.if %cond3A_71 {
          %add3A_75 = arith.constant 1 : i32
          %add3A_76 = arith.addi %add3A_55, %add3A_75 : i32
          %mul3A_77 = arith.constant 128 : i32
          %mul3A_78 = arith.muli %add3A_76, %mul3A_77 : i32
          %add3A_79 = arith.addi %mul3A_10, %mul3A_78 : i32
          "tpu.region"() ({
            %run_scoped3A = tpu.sem_alloc : memref<!tpu.dma_semaphore, #tpu.memory_space<semaphore_mem>>
            %dma_start3A_88 = tpu.memref_slice %arg3[%add3A_79] : memref<327680xi32, #tpu.memory_space<hbm>> -> memref<128xi32, #tpu.memory_space<hbm>>
            %dma_start3A_89 = tpu.memref_slice %arg3[%add3A_79] : memref<327680xi32, #tpu.memory_space<hbm>> -> memref<128xi32, #tpu.memory_space<hbm>>
            tpu.enqueue_dma source(%dma_start3A_89 : memref<128xi32, #tpu.memory_space<hbm>>) target(%arg7 : memref<128xi32, #tpu.memory_space<vmem>>) target_semaphore(%run_scoped3A : memref<!tpu.dma_semaphore, #tpu.memory_space<semaphore_mem>>)
            %dma_wait3A_90 = tpu.memref_slice %arg3[%add3A_79] : memref<327680xi32, #tpu.memory_space<hbm>> -> memref<128xi32, #tpu.memory_space<hbm>>
            %dma_wait3A_91 = tpu.memref_slice %arg3[%add3A_79] : memref<327680xi32, #tpu.memory_space<hbm>> -> memref<128xi32, #tpu.memory_space<hbm>>
            tpu.wait_dma2 semaphore(%run_scoped3A : memref<!tpu.dma_semaphore, #tpu.memory_space<semaphore_mem>>) src(%dma_wait3A_91 : memref<128xi32, #tpu.memory_space<hbm>>) dst(%arg7 : memref<128xi32, #tpu.memory_space<vmem>>)
            tpu.yield
          }) : () -> ()
          %add3A_80 = arith.constant 1 : i32
          %add3A_81 = arith.addi %add3A_55, %add3A_80 : i32
          %mul3A_82 = arith.constant 128 : i32
          %mul3A_83 = arith.muli %add3A_81, %mul3A_82 : i32
          %add3A_84 = arith.addi %mul3A_10, %mul3A_83 : i32
          "tpu.region"() ({
            %run_scoped3A = tpu.sem_alloc : memref<!tpu.dma_semaphore, #tpu.memory_space<semaphore_mem>>
            %dma_start3A_88 = tpu.memref_slice %arg4[%add3A_84] : memref<327680xi32, #tpu.memory_space<hbm>> -> memref<128xi32, #tpu.memory_space<hbm>>
            %dma_start3A_89 = tpu.memref_slice %arg4[%add3A_84] : memref<327680xi32, #tpu.memory_space<hbm>> -> memref<128xi32, #tpu.memory_space<hbm>>
            tpu.enqueue_dma source(%dma_start3A_89 : memref<128xi32, #tpu.memory_space<hbm>>) target(%arg8 : memref<128xi32, #tpu.memory_space<vmem>>) target_semaphore(%run_scoped3A : memref<!tpu.dma_semaphore, #tpu.memory_space<semaphore_mem>>)
            %dma_wait3A_90 = tpu.memref_slice %arg4[%add3A_84] : memref<327680xi32, #tpu.memory_space<hbm>> -> memref<128xi32, #tpu.memory_space<hbm>>
            %dma_wait3A_91 = tpu.memref_slice %arg4[%add3A_84] : memref<327680xi32, #tpu.memory_space<hbm>> -> memref<128xi32, #tpu.memory_space<hbm>>
            tpu.wait_dma2 semaphore(%run_scoped3A : memref<!tpu.dma_semaphore, #tpu.memory_space<semaphore_mem>>) src(%dma_wait3A_91 : memref<128xi32, #tpu.memory_space<hbm>>) dst(%arg8 : memref<128xi32, #tpu.memory_space<vmem>>)
            tpu.yield
          }) : () -> ()
          %dma_start3A_85 = arith.constant 0 : i32
          %dma_start3A_86 = arith.constant 0 : i32
          %dma_start3A_87 = tpu.memref_slice %arg2[%dma_start3A_85, %dma_start3A_86] : memref<10240x128xf32, #tpu.memory_space<hbm>> -> memref<10240x128xf32, #tpu.memory_space<hbm>>
          tpu.enqueue_indirect_dma source(%dma_start3A_87 : memref<10240x128xf32, #tpu.memory_space<hbm>>) target(%arg11 : memref<128x128xf32, #tpu.memory_space<vmem>>) offsets(%arg7 : memref<128xi32, #tpu.memory_space<vmem>>) semaphore(%arg14 : memref<!tpu.dma_semaphore, #tpu.memory_space<semaphore_mem>>)
        } else {
        }
        %dma_wait3A_72 = arith.constant 0 : i32
        %dma_wait3A_73 = arith.constant 0 : i32
        %dma_wait3A_74 = tpu.memref_slice %arg2[%dma_wait3A_72, %dma_wait3A_73] : memref<10240x128xf32, #tpu.memory_space<hbm>> -> memref<10240x128xf32, #tpu.memory_space<hbm>>
        tpu.wait_indirect_dma semaphore(%arg15 : memref<!tpu.dma_semaphore, #tpu.memory_space<semaphore_mem>>) src(%dma_wait3A_74 : memref<10240x128xf32, #tpu.memory_space<hbm>>) dst(%arg12 : memref<128x128xf32, #tpu.memory_space<vmem>>)
        "tpu.region"() ({
          %run_scoped3A = tpu.sem_alloc : memref<!tpu.dma_semaphore, #tpu.memory_space<semaphore_mem>>
          %dma_start3A_75 = arith.constant 0 : i32
          %dma_start3A_76 = arith.constant 0 : i32
          %dma_start3A_77 = tpu.memref_slice %arg13[%dma_start3A_75, %dma_start3A_76] : memref<10240x128xf32, #tpu.memory_space<vmem_shared>> -> memref<10240x128xf32, #tpu.memory_space<vmem_shared>>
          tpu.enqueue_indirect_dma source(%arg12 : memref<128x128xf32, #tpu.memory_space<vmem>>) target(%dma_start3A_77 : memref<10240x128xf32, #tpu.memory_space<vmem_shared>>) offsets(%arg10 : memref<128xi32, #tpu.memory_space<vmem>>) semaphore(%run_scoped3A : memref<!tpu.dma_semaphore, #tpu.memory_space<semaphore_mem>>) {add = true}
          %dma_wait3A_78 = arith.constant 0 : i32
          %dma_wait3A_79 = arith.constant 0 : i32
          %dma_wait3A_80 = tpu.memref_slice %arg13[%dma_wait3A_78, %dma_wait3A_79] : memref<10240x128xf32, #tpu.memory_space<vmem_shared>> -> memref<10240x128xf32, #tpu.memory_space<vmem_shared>>
          tpu.wait_indirect_dma semaphore(%run_scoped3A : memref<!tpu.dma_semaphore, #tpu.memory_space<semaphore_mem>>) src(%arg12 : memref<128x128xf32, #tpu.memory_space<vmem>>) dst(%dma_wait3A_80 : memref<10240x128xf32, #tpu.memory_space<vmem_shared>>)
          tpu.yield
        }) : () -> ()
      }
      %while3A_50 = arith.constant 1 : i32
      scf.for %while3A_51 = %while3A_48 to %while3A_44 step %while3A_50  : i32 {
        %mul3A_52 = arith.constant 2 : i32
        %mul3A_53 = arith.muli %mul3A_52, %while3A_51 : i32
        %add3A_54 = arith.constant 1 : i32
        %add3A_55 = arith.addi %mul3A_53, %add3A_54 : i32
        %mul3A_56 = arith.constant 128 : i32
        %mul3A_57 = arith.muli %add3A_55, %mul3A_56 : i32
        %add3A_58 = arith.addi %mul3A_10, %mul3A_57 : i32
        "tpu.region"() ({
          %run_scoped3A = tpu.sem_alloc : memref<!tpu.dma_semaphore, #tpu.memory_space<semaphore_mem>>
          %dma_start3A_75 = tpu.memref_slice %arg3[%add3A_58] : memref<327680xi32, #tpu.memory_space<hbm>> -> memref<128xi32, #tpu.memory_space<hbm>>
          %dma_start3A_76 = tpu.memref_slice %arg3[%add3A_58] : memref<327680xi32, #tpu.memory_space<hbm>> -> memref<128xi32, #tpu.memory_space<hbm>>
          tpu.enqueue_dma source(%dma_start3A_76 : memref<128xi32, #tpu.memory_space<hbm>>) target(%arg9 : memref<128xi32, #tpu.memory_space<vmem>>) target_semaphore(%run_scoped3A : memref<!tpu.dma_semaphore, #tpu.memory_space<semaphore_mem>>)
          %dma_wait3A_77 = tpu.memref_slice %arg3[%add3A_58] : memref<327680xi32, #tpu.memory_space<hbm>> -> memref<128xi32, #tpu.memory_space<hbm>>
          %dma_wait3A_78 = tpu.memref_slice %arg3[%add3A_58] : memref<327680xi32, #tpu.memory_space<hbm>> -> memref<128xi32, #tpu.memory_space<hbm>>
          tpu.wait_dma2 semaphore(%run_scoped3A : memref<!tpu.dma_semaphore, #tpu.memory_space<semaphore_mem>>) src(%dma_wait3A_78 : memref<128xi32, #tpu.memory_space<hbm>>) dst(%arg9 : memref<128xi32, #tpu.memory_space<vmem>>)
          tpu.yield
        }) : () -> ()
        %mul3A_59 = arith.constant 128 : i32
        %mul3A_60 = arith.muli %add3A_55, %mul3A_59 : i32
        %add3A_61 = arith.addi %mul3A_10, %mul3A_60 : i32
        "tpu.region"() ({
          %run_scoped3A = tpu.sem_alloc : memref<!tpu.dma_semaphore, #tpu.memory_space<semaphore_mem>>
          %dma_start3A_75 = tpu.memref_slice %arg4[%add3A_61] : memref<327680xi32, #tpu.memory_space<hbm>> -> memref<128xi32, #tpu.memory_space<hbm>>
          %dma_start3A_76 = tpu.memref_slice %arg4[%add3A_61] : memref<327680xi32, #tpu.memory_space<hbm>> -> memref<128xi32, #tpu.memory_space<hbm>>
          tpu.enqueue_dma source(%dma_start3A_76 : memref<128xi32, #tpu.memory_space<hbm>>) target(%arg10 : memref<128xi32, #tpu.memory_space<vmem>>) target_semaphore(%run_scoped3A : memref<!tpu.dma_semaphore, #tpu.memory_space<semaphore_mem>>)
          %dma_wait3A_77 = tpu.memref_slice %arg4[%add3A_61] : memref<327680xi32, #tpu.memory_space<hbm>> -> memref<128xi32, #tpu.memory_space<hbm>>
          %dma_wait3A_78 = tpu.memref_slice %arg4[%add3A_61] : memref<327680xi32, #tpu.memory_space<hbm>> -> memref<128xi32, #tpu.memory_space<hbm>>
          tpu.wait_dma2 semaphore(%run_scoped3A : memref<!tpu.dma_semaphore, #tpu.memory_space<semaphore_mem>>) src(%dma_wait3A_78 : memref<128xi32, #tpu.memory_space<hbm>>) dst(%arg10 : memref<128xi32, #tpu.memory_space<vmem>>)
          tpu.yield
        }) : () -> ()
        %dma_start3A_62 = arith.constant 0 : i32
        %dma_start3A_63 = arith.constant 0 : i32
        %dma_start3A_64 = tpu.memref_slice %arg2[%dma_start3A_62, %dma_start3A_63] : memref<10240x128xf32, #tpu.memory_space<hbm>> -> memref<10240x128xf32, #tpu.memory_space<hbm>>
        tpu.enqueue_indirect_dma source(%dma_start3A_64 : memref<10240x128xf32, #tpu.memory_space<hbm>>) target(%arg12 : memref<128x128xf32, #tpu.memory_space<vmem>>) offsets(%arg9 : memref<128xi32, #tpu.memory_space<vmem>>) semaphore(%arg15 : memref<!tpu.dma_semaphore, #tpu.memory_space<semaphore_mem>>)
        %dma_wait3A = arith.constant 0 : i32
        %dma_wait3A_65 = arith.constant 0 : i32
        %dma_wait3A_66 = tpu.memref_slice %arg2[%dma_wait3A, %dma_wait3A_65] : memref<10240x128xf32, #tpu.memory_space<hbm>> -> memref<10240x128xf32, #tpu.memory_space<hbm>>
        tpu.wait_indirect_dma semaphore(%arg14 : memref<!tpu.dma_semaphore, #tpu.memory_space<semaphore_mem>>) src(%dma_wait3A_66 : memref<10240x128xf32, #tpu.memory_space<hbm>>) dst(%arg11 : memref<128x128xf32, #tpu.memory_space<vmem>>)
        "tpu.region"() ({
          %run_scoped3A = tpu.sem_alloc : memref<!tpu.dma_semaphore, #tpu.memory_space<semaphore_mem>>
          %dma_start3A_75 = arith.constant 0 : i32
          %dma_start3A_76 = arith.constant 0 : i32
          %dma_start3A_77 = tpu.memref_slice %arg13[%dma_start3A_75, %dma_start3A_76] : memref<10240x128xf32, #tpu.memory_space<vmem_shared>> -> memref<10240x128xf32, #tpu.memory_space<vmem_shared>>
          tpu.enqueue_indirect_dma source(%arg11 : memref<128x128xf32, #tpu.memory_space<vmem>>) target(%dma_start3A_77 : memref<10240x128xf32, #tpu.memory_space<vmem_shared>>) offsets(%arg8 : memref<128xi32, #tpu.memory_space<vmem>>) semaphore(%run_scoped3A : memref<!tpu.dma_semaphore, #tpu.memory_space<semaphore_mem>>) {add = true}
          %dma_wait3A_78 = arith.constant 0 : i32
          %dma_wait3A_79 = arith.constant 0 : i32
          %dma_wait3A_80 = tpu.memref_slice %arg13[%dma_wait3A_78, %dma_wait3A_79] : memref<10240x128xf32, #tpu.memory_space<vmem_shared>> -> memref<10240x128xf32, #tpu.memory_space<vmem_shared>>
          tpu.wait_indirect_dma semaphore(%run_scoped3A : memref<!tpu.dma_semaphore, #tpu.memory_space<semaphore_mem>>) src(%arg11 : memref<128x128xf32, #tpu.memory_space<vmem>>) dst(%dma_wait3A_80 : memref<10240x128xf32, #tpu.memory_space<vmem_shared>>)
          tpu.yield
        }) : () -> ()
        %sub3A_67 = arith.constant 1 : i32
        %sub3A_68 = arith.subi %select_n3A_32, %sub3A_67 : i32
        %lt3A = arith.cmpi slt, %while3A_51, %sub3A_68 : i32
        %convert_element_type3A_69 = arith.extui %lt3A : i1 to i32
        %cond3A_70 = arith.constant 0 : i32
        %cond3A_71 = arith.cmpi ne, %convert_element_type3A_69, %cond3A_70 : i32
        scf.if %cond3A_71 {
          %add3A_75 = arith.constant 1 : i32
          %add3A_76 = arith.addi %add3A_55, %add3A_75 : i32
          %mul3A_77 = arith.constant 128 : i32
          %mul3A_78 = arith.muli %add3A_76, %mul3A_77 : i32
          %add3A_79 = arith.addi %mul3A_10, %mul3A_78 : i32
          "tpu.region"() ({
            %run_scoped3A = tpu.sem_alloc : memref<!tpu.dma_semaphore, #tpu.memory_space<semaphore_mem>>
            %dma_start3A_88 = tpu.memref_slice %arg3[%add3A_79] : memref<327680xi32, #tpu.memory_space<hbm>> -> memref<128xi32, #tpu.memory_space<hbm>>
            %dma_start3A_89 = tpu.memref_slice %arg3[%add3A_79] : memref<327680xi32, #tpu.memory_space<hbm>> -> memref<128xi32, #tpu.memory_space<hbm>>
            tpu.enqueue_dma source(%dma_start3A_89 : memref<128xi32, #tpu.memory_space<hbm>>) target(%arg7 : memref<128xi32, #tpu.memory_space<vmem>>) target_semaphore(%run_scoped3A : memref<!tpu.dma_semaphore, #tpu.memory_space<semaphore_mem>>)
            %dma_wait3A_90 = tpu.memref_slice %arg3[%add3A_79] : memref<327680xi32, #tpu.memory_space<hbm>> -> memref<128xi32, #tpu.memory_space<hbm>>
            %dma_wait3A_91 = tpu.memref_slice %arg3[%add3A_79] : memref<327680xi32, #tpu.memory_space<hbm>> -> memref<128xi32, #tpu.memory_space<hbm>>
            tpu.wait_dma2 semaphore(%run_scoped3A : memref<!tpu.dma_semaphore, #tpu.memory_space<semaphore_mem>>) src(%dma_wait3A_91 : memref<128xi32, #tpu.memory_space<hbm>>) dst(%arg7 : memref<128xi32, #tpu.memory_space<vmem>>)
            tpu.yield
          }) : () -> ()
          %add3A_80 = arith.constant 1 : i32
          %add3A_81 = arith.addi %add3A_55, %add3A_80 : i32
          %mul3A_82 = arith.constant 128 : i32
          %mul3A_83 = arith.muli %add3A_81, %mul3A_82 : i32
          %add3A_84 = arith.addi %mul3A_10, %mul3A_83 : i32
          "tpu.region"() ({
            %run_scoped3A = tpu.sem_alloc : memref<!tpu.dma_semaphore, #tpu.memory_space<semaphore_mem>>
            %dma_start3A_88 = tpu.memref_slice %arg4[%add3A_84] : memref<327680xi32, #tpu.memory_space<hbm>> -> memref<128xi32, #tpu.memory_space<hbm>>
            %dma_start3A_89 = tpu.memref_slice %arg4[%add3A_84] : memref<327680xi32, #tpu.memory_space<hbm>> -> memref<128xi32, #tpu.memory_space<hbm>>
            tpu.enqueue_dma source(%dma_start3A_89 : memref<128xi32, #tpu.memory_space<hbm>>) target(%arg8 : memref<128xi32, #tpu.memory_space<vmem>>) target_semaphore(%run_scoped3A : memref<!tpu.dma_semaphore, #tpu.memory_space<semaphore_mem>>)
            %dma_wait3A_90 = tpu.memref_slice %arg4[%add3A_84] : memref<327680xi32, #tpu.memory_space<hbm>> -> memref<128xi32, #tpu.memory_space<hbm>>
            %dma_wait3A_91 = tpu.memref_slice %arg4[%add3A_84] : memref<327680xi32, #tpu.memory_space<hbm>> -> memref<128xi32, #tpu.memory_space<hbm>>
            tpu.wait_dma2 semaphore(%run_scoped3A : memref<!tpu.dma_semaphore, #tpu.memory_space<semaphore_mem>>) src(%dma_wait3A_91 : memref<128xi32, #tpu.memory_space<hbm>>) dst(%arg8 : memref<128xi32, #tpu.memory_space<vmem>>)
            tpu.yield
          }) : () -> ()
          %dma_start3A_85 = arith.constant 0 : i32
          %dma_start3A_86 = arith.constant 0 : i32
          %dma_start3A_87 = tpu.memref_slice %arg2[%dma_start3A_85, %dma_start3A_86] : memref<10240x128xf32, #tpu.memory_space<hbm>> -> memref<10240x128xf32, #tpu.memory_space<hbm>>
          tpu.enqueue_indirect_dma source(%dma_start3A_87 : memref<10240x128xf32, #tpu.memory_space<hbm>>) target(%arg11 : memref<128x128xf32, #tpu.memory_space<vmem>>) offsets(%arg7 : memref<128xi32, #tpu.memory_space<vmem>>) semaphore(%arg14 : memref<!tpu.dma_semaphore, #tpu.memory_space<semaphore_mem>>)
        } else {
        }
        %dma_wait3A_72 = arith.constant 0 : i32
        %dma_wait3A_73 = arith.constant 0 : i32
        %dma_wait3A_74 = tpu.memref_slice %arg2[%dma_wait3A_72, %dma_wait3A_73] : memref<10240x128xf32, #tpu.memory_space<hbm>> -> memref<10240x128xf32, #tpu.memory_space<hbm>>
        tpu.wait_indirect_dma semaphore(%arg15 : memref<!tpu.dma_semaphore, #tpu.memory_space<semaphore_mem>>) src(%dma_wait3A_74 : memref<10240x128xf32, #tpu.memory_space<hbm>>) dst(%arg12 : memref<128x128xf32, #tpu.memory_space<vmem>>)
        "tpu.region"() ({
          %run_scoped3A = tpu.sem_alloc : memref<!tpu.dma_semaphore, #tpu.memory_space<semaphore_mem>>
          %dma_start3A_75 = arith.constant 0 : i32
          %dma_start3A_76 = arith.constant 0 : i32
          %dma_start3A_77 = tpu.memref_slice %arg13[%dma_start3A_75, %dma_start3A_76] : memref<10240x128xf32, #tpu.memory_space<vmem_shared>> -> memref<10240x128xf32, #tpu.memory_space<vmem_shared>>
          tpu.enqueue_indirect_dma source(%arg12 : memref<128x128xf32, #tpu.memory_space<vmem>>) target(%dma_start3A_77 : memref<10240x128xf32, #tpu.memory_space<vmem_shared>>) offsets(%arg10 : memref<128xi32, #tpu.memory_space<vmem>>) semaphore(%run_scoped3A : memref<!tpu.dma_semaphore, #tpu.memory_space<semaphore_mem>>) {add = true}
          %dma_wait3A_78 = arith.constant 0 : i32
          %dma_wait3A_79 = arith.constant 0 : i32
          %dma_wait3A_80 = tpu.memref_slice %arg13[%dma_wait3A_78, %dma_wait3A_79] : memref<10240x128xf32, #tpu.memory_space<vmem_shared>> -> memref<10240x128xf32, #tpu.memory_space<vmem_shared>>
          tpu.wait_indirect_dma semaphore(%run_scoped3A : memref<!tpu.dma_semaphore, #tpu.memory_space<semaphore_mem>>) src(%arg12 : memref<128x128xf32, #tpu.memory_space<vmem>>) dst(%dma_wait3A_80 : memref<10240x128xf32, #tpu.memory_space<vmem_shared>>)
          tpu.yield
        }) : () -> ()
      }
    } else {
    }
    %barrier3A_35 = arith.constant 0 : index
    tpu.barrier barrier_id(%barrier3A_35)
    %mul3A_36 = arith.constant 640 : i32
    %mul3A_37 = arith.muli %arg1, %mul3A_36 : i32
    %mul3A_38 = arith.constant 640 : i32
    %mul3A_39 = arith.muli %arg1, %mul3A_38 : i32
    "tpu.region"() ({
      %run_scoped3A = tpu.sem_alloc : memref<!tpu.dma_semaphore, #tpu.memory_space<semaphore_mem>>
      %dma_start3A = arith.constant 0 : i32
      %dma_start3A_40 = tpu.memref_slice %arg6[%arg0, %mul3A_39, %dma_start3A] : memref<2x10240x128xf32, #tpu.memory_space<hbm>> -> memref<1x640x128xf32, #tpu.memory_space<hbm>>
      %dma_start3A_41 = tpu.memref_squeeze %dma_start3A_40 : memref<1x640x128xf32, #tpu.memory_space<hbm>> -> memref<640x128xf32, #tpu.memory_space<hbm>>
      %dma_start3A_42 = arith.constant 0 : i32
      %dma_start3A_43 = tpu.memref_slice %arg13[%mul3A_37, %dma_start3A_42] : memref<10240x128xf32, #tpu.memory_space<vmem_shared>> -> memref<640x128xf32, #tpu.memory_space<vmem_shared>>
      tpu.enqueue_dma source(%dma_start3A_43 : memref<640x128xf32, #tpu.memory_space<vmem_shared>>) target(%dma_start3A_41 : memref<640x128xf32, #tpu.memory_space<hbm>>) target_semaphore(%run_scoped3A : memref<!tpu.dma_semaphore, #tpu.memory_space<semaphore_mem>>)
      %dma_wait3A = arith.constant 0 : i32
      %dma_wait3A_44 = tpu.memref_slice %arg6[%arg0, %mul3A_39, %dma_wait3A] : memref<2x10240x128xf32, #tpu.memory_space<hbm>> -> memref<1x640x128xf32, #tpu.memory_space<hbm>>
      %dma_wait3A_45 = tpu.memref_squeeze %dma_wait3A_44 : memref<1x640x128xf32, #tpu.memory_space<hbm>> -> memref<640x128xf32, #tpu.memory_space<hbm>>
      %dma_wait3A_46 = arith.constant 0 : i32
      %dma_wait3A_47 = tpu.memref_slice %arg13[%mul3A_37, %dma_wait3A_46] : memref<10240x128xf32, #tpu.memory_space<vmem_shared>> -> memref<640x128xf32, #tpu.memory_space<vmem_shared>>
      tpu.wait_dma2 semaphore(%run_scoped3A : memref<!tpu.dma_semaphore, #tpu.memory_space<semaphore_mem>>) src(%dma_wait3A_47 : memref<640x128xf32, #tpu.memory_space<vmem_shared>>) dst(%dma_wait3A_45 : memref<640x128xf32, #tpu.memory_space<hbm>>)
      tpu.yield
    }) : () -> ()
    return
  }
}

#map = affine_map<(d0, d1) -> (0)>
#map1 = affine_map<(d0, d1) -> (0, 0)>
#map2 = affine_map<(d0, d1) -> (0, 0, 0)>
module attributes {stable_mosaic.version = 14 : i64} {
  func.func @_sc_degree(%arg0: i32, %arg1: i32, %arg2: memref<327680xi32, #tpu.memory_space<hbm>>, %arg3: memref<10240x128xf32, #tpu.memory_space<hbm>>, %arg4: memref<128x128xf32, #tpu.memory_space<hbm>>, %arg5: memref<2x10240x128xf32, #tpu.memory_space<hbm>>, %arg6: memref<128xi32, #tpu.memory_space<vmem>>, %arg7: memref<128xi32, #tpu.memory_space<vmem>>, %arg8: memref<128xi32, #tpu.memory_space<vmem>>, %arg9: memref<128xi32, #tpu.memory_space<vmem>>, %arg10: memref<128x128xf32, #tpu.memory_space<vmem>>, %arg11: memref<10240x128xf32, #tpu.memory_space<vmem_shared>>, %arg12: memref<!tpu.dma_semaphore, #tpu.memory_space<semaphore_mem>>, %arg13: memref<!tpu.dma_semaphore, #tpu.memory_space<semaphore_mem>>, %arg14: memref<!tpu.dma_semaphore, #tpu.memory_space<semaphore_mem>>, %arg15: memref<!tpu.dma_semaphore, #tpu.memory_space<semaphore_mem>>) attributes {dimension_semantics = [#tpu.dimension_semantics<core_parallel>, #tpu.dimension_semantics<subcore_parallel>], iteration_bounds = array<i64: 2, 16>, scalar_prefetch = 0 : i64, scratch_operands = 10 : i64, tpu.core_type = #tpu.core_type<sc_vector_subcore>, window_params = [{transform_indices = #map}, {transform_indices = #map1}, {transform_indices = #map1}, {transform_indices = #map2}]} {
    %mul3A = arith.constant 16 : i32
    %mul3A_0 = arith.muli %arg0, %mul3A : i32
    %add3A = arith.addi %mul3A_0, %arg1 : i32
    %mul3A_1 = arith.constant 80 : i32
    %mul3A_2 = arith.muli %add3A, %mul3A_1 : i32
    %mul3A_3 = arith.constant 128 : i32
    %mul3A_4 = arith.muli %mul3A_2, %mul3A_3 : i32
    %mul3A_5 = arith.constant 640 : i32
    %mul3A_6 = arith.muli %arg1, %mul3A_5 : i32
    %mul3A_7 = arith.constant 640 : i32
    %mul3A_8 = arith.muli %arg1, %mul3A_7 : i32
    "tpu.region"() ({
      %run_scoped3A = tpu.sem_alloc : memref<!tpu.dma_semaphore, #tpu.memory_space<semaphore_mem>>
      %dma_start3A_21 = arith.constant 0 : i32
      %dma_start3A_22 = tpu.memref_slice %arg11[%mul3A_8, %dma_start3A_21] : memref<10240x128xf32, #tpu.memory_space<vmem_shared>> -> memref<640x128xf32, #tpu.memory_space<vmem_shared>>
      %dma_start3A_23 = arith.constant 0 : i32
      %dma_start3A_24 = tpu.memref_slice %arg3[%mul3A_6, %dma_start3A_23] : memref<10240x128xf32, #tpu.memory_space<hbm>> -> memref<640x128xf32, #tpu.memory_space<hbm>>
      tpu.enqueue_dma source(%dma_start3A_24 : memref<640x128xf32, #tpu.memory_space<hbm>>) target(%dma_start3A_22 : memref<640x128xf32, #tpu.memory_space<vmem_shared>>) target_semaphore(%run_scoped3A : memref<!tpu.dma_semaphore, #tpu.memory_space<semaphore_mem>>)
      %dma_wait3A = arith.constant 0 : i32
      %dma_wait3A_25 = tpu.memref_slice %arg11[%mul3A_8, %dma_wait3A] : memref<10240x128xf32, #tpu.memory_space<vmem_shared>> -> memref<640x128xf32, #tpu.memory_space<vmem_shared>>
      %dma_wait3A_26 = arith.constant 0 : i32
      %dma_wait3A_27 = tpu.memref_slice %arg3[%mul3A_6, %dma_wait3A_26] : memref<10240x128xf32, #tpu.memory_space<hbm>> -> memref<640x128xf32, #tpu.memory_space<hbm>>
      tpu.wait_dma2 semaphore(%run_scoped3A : memref<!tpu.dma_semaphore, #tpu.memory_space<semaphore_mem>>) src(%dma_wait3A_27 : memref<640x128xf32, #tpu.memory_space<hbm>>) dst(%dma_wait3A_25 : memref<640x128xf32, #tpu.memory_space<vmem_shared>>)
      tpu.yield
    }) : () -> ()
    "tpu.region"() ({
      %run_scoped3A = tpu.sem_alloc : memref<!tpu.dma_semaphore, #tpu.memory_space<semaphore_mem>>
      tpu.enqueue_dma source(%arg4 : memref<128x128xf32, #tpu.memory_space<hbm>>) target(%arg10 : memref<128x128xf32, #tpu.memory_space<vmem>>) target_semaphore(%run_scoped3A : memref<!tpu.dma_semaphore, #tpu.memory_space<semaphore_mem>>)
      tpu.wait_dma2 semaphore(%run_scoped3A : memref<!tpu.dma_semaphore, #tpu.memory_space<semaphore_mem>>) src(%arg4 : memref<128x128xf32, #tpu.memory_space<hbm>>) dst(%arg10 : memref<128x128xf32, #tpu.memory_space<vmem>>)
      tpu.yield
    }) : () -> ()
    %barrier3A = arith.constant 0 : index
    tpu.barrier barrier_id(%barrier3A)
    "tpu.region"() ({
      %run_scoped3A = tpu.sem_alloc : memref<!tpu.dma_semaphore, #tpu.memory_space<semaphore_mem>>
      %dma_start3A_21 = tpu.memref_slice %arg2[%mul3A_4] : memref<327680xi32, #tpu.memory_space<hbm>> -> memref<128xi32, #tpu.memory_space<hbm>>
      %dma_start3A_22 = tpu.memref_slice %arg2[%mul3A_4] : memref<327680xi32, #tpu.memory_space<hbm>> -> memref<128xi32, #tpu.memory_space<hbm>>
      tpu.enqueue_dma source(%dma_start3A_22 : memref<128xi32, #tpu.memory_space<hbm>>) target(%arg6 : memref<128xi32, #tpu.memory_space<vmem>>) target_semaphore(%run_scoped3A : memref<!tpu.dma_semaphore, #tpu.memory_space<semaphore_mem>>)
      %dma_wait3A = tpu.memref_slice %arg2[%mul3A_4] : memref<327680xi32, #tpu.memory_space<hbm>> -> memref<128xi32, #tpu.memory_space<hbm>>
      %dma_wait3A_23 = tpu.memref_slice %arg2[%mul3A_4] : memref<327680xi32, #tpu.memory_space<hbm>> -> memref<128xi32, #tpu.memory_space<hbm>>
      tpu.wait_dma2 semaphore(%run_scoped3A : memref<!tpu.dma_semaphore, #tpu.memory_space<semaphore_mem>>) src(%dma_wait3A_23 : memref<128xi32, #tpu.memory_space<hbm>>) dst(%arg6 : memref<128xi32, #tpu.memory_space<vmem>>)
      tpu.yield
    }) : () -> ()
    %dma_start3A = arith.constant 0 : i32
    %dma_start3A_9 = arith.constant 0 : i32
    %dma_start3A_10 = tpu.memref_slice %arg11[%dma_start3A, %dma_start3A_9] : memref<10240x128xf32, #tpu.memory_space<vmem_shared>> -> memref<10240x128xf32, #tpu.memory_space<vmem_shared>>
    tpu.enqueue_indirect_dma source(%arg10 : memref<128x128xf32, #tpu.memory_space<vmem>>) target(%dma_start3A_10 : memref<10240x128xf32, #tpu.memory_space<vmem_shared>>) offsets(%arg6 : memref<128xi32, #tpu.memory_space<vmem>>) semaphore(%arg12 : memref<!tpu.dma_semaphore, #tpu.memory_space<semaphore_mem>>) {add = true}
    %scan3A = arith.constant 0 : i32
    %scan3A_11 = arith.constant 0 : i32
    %scan3A_12 = arith.constant 20 : i32
    %scan3A_13 = arith.addi %scan3A_11, %scan3A_12 : i32
    %scan3A_14 = arith.constant 1 : i32
    scf.for %scan3A_21 = %scan3A_11 to %scan3A_13 step %scan3A_14  : i32 {
      %mul3A_22 = arith.constant 4 : i32
      %mul3A_23 = arith.muli %mul3A_22, %scan3A_21 : i32
      %add3A_24 = arith.constant 1 : i32
      %add3A_25 = arith.addi %mul3A_23, %add3A_24 : i32
      %mul3A_26 = arith.constant 128 : i32
      %mul3A_27 = arith.muli %add3A_25, %mul3A_26 : i32
      %add3A_28 = arith.addi %mul3A_4, %mul3A_27 : i32
      "tpu.region"() ({
        %run_scoped3A = tpu.sem_alloc : memref<!tpu.dma_semaphore, #tpu.memory_space<semaphore_mem>>
        %dma_start3A_61 = tpu.memref_slice %arg2[%add3A_28] : memref<327680xi32, #tpu.memory_space<hbm>> -> memref<128xi32, #tpu.memory_space<hbm>>
        %dma_start3A_62 = tpu.memref_slice %arg2[%add3A_28] : memref<327680xi32, #tpu.memory_space<hbm>> -> memref<128xi32, #tpu.memory_space<hbm>>
        tpu.enqueue_dma source(%dma_start3A_62 : memref<128xi32, #tpu.memory_space<hbm>>) target(%arg7 : memref<128xi32, #tpu.memory_space<vmem>>) target_semaphore(%run_scoped3A : memref<!tpu.dma_semaphore, #tpu.memory_space<semaphore_mem>>)
        %dma_wait3A_63 = tpu.memref_slice %arg2[%add3A_28] : memref<327680xi32, #tpu.memory_space<hbm>> -> memref<128xi32, #tpu.memory_space<hbm>>
        %dma_wait3A_64 = tpu.memref_slice %arg2[%add3A_28] : memref<327680xi32, #tpu.memory_space<hbm>> -> memref<128xi32, #tpu.memory_space<hbm>>
        tpu.wait_dma2 semaphore(%run_scoped3A : memref<!tpu.dma_semaphore, #tpu.memory_space<semaphore_mem>>) src(%dma_wait3A_64 : memref<128xi32, #tpu.memory_space<hbm>>) dst(%arg7 : memref<128xi32, #tpu.memory_space<vmem>>)
        tpu.yield
      }) : () -> ()
      %dma_start3A_29 = arith.constant 0 : i32
      %dma_start3A_30 = arith.constant 0 : i32
      %dma_start3A_31 = tpu.memref_slice %arg11[%dma_start3A_29, %dma_start3A_30] : memref<10240x128xf32, #tpu.memory_space<vmem_shared>> -> memref<10240x128xf32, #tpu.memory_space<vmem_shared>>
      tpu.enqueue_indirect_dma source(%arg10 : memref<128x128xf32, #tpu.memory_space<vmem>>) target(%dma_start3A_31 : memref<10240x128xf32, #tpu.memory_space<vmem_shared>>) offsets(%arg7 : memref<128xi32, #tpu.memory_space<vmem>>) semaphore(%arg13 : memref<!tpu.dma_semaphore, #tpu.memory_space<semaphore_mem>>) {add = true}
      %add3A_32 = arith.constant 2 : i32
      %add3A_33 = arith.addi %mul3A_23, %add3A_32 : i32
      %mul3A_34 = arith.constant 128 : i32
      %mul3A_35 = arith.muli %add3A_33, %mul3A_34 : i32
      %add3A_36 = arith.addi %mul3A_4, %mul3A_35 : i32
      "tpu.region"() ({
        %run_scoped3A = tpu.sem_alloc : memref<!tpu.dma_semaphore, #tpu.memory_space<semaphore_mem>>
        %dma_start3A_61 = tpu.memref_slice %arg2[%add3A_36] : memref<327680xi32, #tpu.memory_space<hbm>> -> memref<128xi32, #tpu.memory_space<hbm>>
        %dma_start3A_62 = tpu.memref_slice %arg2[%add3A_36] : memref<327680xi32, #tpu.memory_space<hbm>> -> memref<128xi32, #tpu.memory_space<hbm>>
        tpu.enqueue_dma source(%dma_start3A_62 : memref<128xi32, #tpu.memory_space<hbm>>) target(%arg8 : memref<128xi32, #tpu.memory_space<vmem>>) target_semaphore(%run_scoped3A : memref<!tpu.dma_semaphore, #tpu.memory_space<semaphore_mem>>)
        %dma_wait3A_63 = tpu.memref_slice %arg2[%add3A_36] : memref<327680xi32, #tpu.memory_space<hbm>> -> memref<128xi32, #tpu.memory_space<hbm>>
        %dma_wait3A_64 = tpu.memref_slice %arg2[%add3A_36] : memref<327680xi32, #tpu.memory_space<hbm>> -> memref<128xi32, #tpu.memory_space<hbm>>
        tpu.wait_dma2 semaphore(%run_scoped3A : memref<!tpu.dma_semaphore, #tpu.memory_space<semaphore_mem>>) src(%dma_wait3A_64 : memref<128xi32, #tpu.memory_space<hbm>>) dst(%arg8 : memref<128xi32, #tpu.memory_space<vmem>>)
        tpu.yield
      }) : () -> ()
      %dma_start3A_37 = arith.constant 0 : i32
      %dma_start3A_38 = arith.constant 0 : i32
      %dma_start3A_39 = tpu.memref_slice %arg11[%dma_start3A_37, %dma_start3A_38] : memref<10240x128xf32, #tpu.memory_space<vmem_shared>> -> memref<10240x128xf32, #tpu.memory_space<vmem_shared>>
      tpu.enqueue_indirect_dma source(%arg10 : memref<128x128xf32, #tpu.memory_space<vmem>>) target(%dma_start3A_39 : memref<10240x128xf32, #tpu.memory_space<vmem_shared>>) offsets(%arg8 : memref<128xi32, #tpu.memory_space<vmem>>) semaphore(%arg14 : memref<!tpu.dma_semaphore, #tpu.memory_space<semaphore_mem>>) {add = true}
      %add3A_40 = arith.constant 3 : i32
      %add3A_41 = arith.addi %mul3A_23, %add3A_40 : i32
      %mul3A_42 = arith.constant 128 : i32
      %mul3A_43 = arith.muli %add3A_41, %mul3A_42 : i32
      %add3A_44 = arith.addi %mul3A_4, %mul3A_43 : i32
      "tpu.region"() ({
        %run_scoped3A = tpu.sem_alloc : memref<!tpu.dma_semaphore, #tpu.memory_space<semaphore_mem>>
        %dma_start3A_61 = tpu.memref_slice %arg2[%add3A_44] : memref<327680xi32, #tpu.memory_space<hbm>> -> memref<128xi32, #tpu.memory_space<hbm>>
        %dma_start3A_62 = tpu.memref_slice %arg2[%add3A_44] : memref<327680xi32, #tpu.memory_space<hbm>> -> memref<128xi32, #tpu.memory_space<hbm>>
        tpu.enqueue_dma source(%dma_start3A_62 : memref<128xi32, #tpu.memory_space<hbm>>) target(%arg9 : memref<128xi32, #tpu.memory_space<vmem>>) target_semaphore(%run_scoped3A : memref<!tpu.dma_semaphore, #tpu.memory_space<semaphore_mem>>)
        %dma_wait3A_63 = tpu.memref_slice %arg2[%add3A_44] : memref<327680xi32, #tpu.memory_space<hbm>> -> memref<128xi32, #tpu.memory_space<hbm>>
        %dma_wait3A_64 = tpu.memref_slice %arg2[%add3A_44] : memref<327680xi32, #tpu.memory_space<hbm>> -> memref<128xi32, #tpu.memory_space<hbm>>
        tpu.wait_dma2 semaphore(%run_scoped3A : memref<!tpu.dma_semaphore, #tpu.memory_space<semaphore_mem>>) src(%dma_wait3A_64 : memref<128xi32, #tpu.memory_space<hbm>>) dst(%arg9 : memref<128xi32, #tpu.memory_space<vmem>>)
        tpu.yield
      }) : () -> ()
      %dma_start3A_45 = arith.constant 0 : i32
      %dma_start3A_46 = arith.constant 0 : i32
      %dma_start3A_47 = tpu.memref_slice %arg11[%dma_start3A_45, %dma_start3A_46] : memref<10240x128xf32, #tpu.memory_space<vmem_shared>> -> memref<10240x128xf32, #tpu.memory_space<vmem_shared>>
      tpu.enqueue_indirect_dma source(%arg10 : memref<128x128xf32, #tpu.memory_space<vmem>>) target(%dma_start3A_47 : memref<10240x128xf32, #tpu.memory_space<vmem_shared>>) offsets(%arg9 : memref<128xi32, #tpu.memory_space<vmem>>) semaphore(%arg15 : memref<!tpu.dma_semaphore, #tpu.memory_space<semaphore_mem>>) {add = true}
      %dma_wait3A = arith.constant 0 : i32
      %dma_wait3A_48 = arith.constant 0 : i32
      %dma_wait3A_49 = tpu.memref_slice %arg11[%dma_wait3A, %dma_wait3A_48] : memref<10240x128xf32, #tpu.memory_space<vmem_shared>> -> memref<10240x128xf32, #tpu.memory_space<vmem_shared>>
      tpu.wait_indirect_dma semaphore(%arg12 : memref<!tpu.dma_semaphore, #tpu.memory_space<semaphore_mem>>) src(%arg10 : memref<128x128xf32, #tpu.memory_space<vmem>>) dst(%dma_wait3A_49 : memref<10240x128xf32, #tpu.memory_space<vmem_shared>>)
      %lt3A = arith.constant 19 : i32
      %lt3A_50 = arith.cmpi slt, %scan3A_21, %lt3A : i32
      %convert_element_type3A = arith.extui %lt3A_50 : i1 to i32
      %cond3A = arith.constant 0 : i32
      %cond3A_51 = arith.cmpi ne, %convert_element_type3A, %cond3A : i32
      scf.if %cond3A_51 {
        %add3A_61 = arith.constant 4 : i32
        %add3A_62 = arith.addi %mul3A_23, %add3A_61 : i32
        %mul3A_63 = arith.constant 128 : i32
        %mul3A_64 = arith.muli %add3A_62, %mul3A_63 : i32
        %add3A_65 = arith.addi %mul3A_4, %mul3A_64 : i32
        "tpu.region"() ({
          %run_scoped3A = tpu.sem_alloc : memref<!tpu.dma_semaphore, #tpu.memory_space<semaphore_mem>>
          %dma_start3A_69 = tpu.memref_slice %arg2[%add3A_65] : memref<327680xi32, #tpu.memory_space<hbm>> -> memref<128xi32, #tpu.memory_space<hbm>>
          %dma_start3A_70 = tpu.memref_slice %arg2[%add3A_65] : memref<327680xi32, #tpu.memory_space<hbm>> -> memref<128xi32, #tpu.memory_space<hbm>>
          tpu.enqueue_dma source(%dma_start3A_70 : memref<128xi32, #tpu.memory_space<hbm>>) target(%arg6 : memref<128xi32, #tpu.memory_space<vmem>>) target_semaphore(%run_scoped3A : memref<!tpu.dma_semaphore, #tpu.memory_space<semaphore_mem>>)
          %dma_wait3A_71 = tpu.memref_slice %arg2[%add3A_65] : memref<327680xi32, #tpu.memory_space<hbm>> -> memref<128xi32, #tpu.memory_space<hbm>>
          %dma_wait3A_72 = tpu.memref_slice %arg2[%add3A_65] : memref<327680xi32, #tpu.memory_space<hbm>> -> memref<128xi32, #tpu.memory_space<hbm>>
          tpu.wait_dma2 semaphore(%run_scoped3A : memref<!tpu.dma_semaphore, #tpu.memory_space<semaphore_mem>>) src(%dma_wait3A_72 : memref<128xi32, #tpu.memory_space<hbm>>) dst(%arg6 : memref<128xi32, #tpu.memory_space<vmem>>)
          tpu.yield
        }) : () -> ()
        %dma_start3A_66 = arith.constant 0 : i32
        %dma_start3A_67 = arith.constant 0 : i32
        %dma_start3A_68 = tpu.memref_slice %arg11[%dma_start3A_66, %dma_start3A_67] : memref<10240x128xf32, #tpu.memory_space<vmem_shared>> -> memref<10240x128xf32, #tpu.memory_space<vmem_shared>>
        tpu.enqueue_indirect_dma source(%arg10 : memref<128x128xf32, #tpu.memory_space<vmem>>) target(%dma_start3A_68 : memref<10240x128xf32, #tpu.memory_space<vmem_shared>>) offsets(%arg6 : memref<128xi32, #tpu.memory_space<vmem>>) semaphore(%arg12 : memref<!tpu.dma_semaphore, #tpu.memory_space<semaphore_mem>>) {add = true}
      } else {
      }
      %dma_wait3A_52 = arith.constant 0 : i32
      %dma_wait3A_53 = arith.constant 0 : i32
      %dma_wait3A_54 = tpu.memref_slice %arg11[%dma_wait3A_52, %dma_wait3A_53] : memref<10240x128xf32, #tpu.memory_space<vmem_shared>> -> memref<10240x128xf32, #tpu.memory_space<vmem_shared>>
      tpu.wait_indirect_dma semaphore(%arg13 : memref<!tpu.dma_semaphore, #tpu.memory_space<semaphore_mem>>) src(%arg10 : memref<128x128xf32, #tpu.memory_space<vmem>>) dst(%dma_wait3A_54 : memref<10240x128xf32, #tpu.memory_space<vmem_shared>>)
      %dma_wait3A_55 = arith.constant 0 : i32
      %dma_wait3A_56 = arith.constant 0 : i32
      %dma_wait3A_57 = tpu.memref_slice %arg11[%dma_wait3A_55, %dma_wait3A_56] : memref<10240x128xf32, #tpu.memory_space<vmem_shared>> -> memref<10240x128xf32, #tpu.memory_space<vmem_shared>>
      tpu.wait_indirect_dma semaphore(%arg14 : memref<!tpu.dma_semaphore, #tpu.memory_space<semaphore_mem>>) src(%arg10 : memref<128x128xf32, #tpu.memory_space<vmem>>) dst(%dma_wait3A_57 : memref<10240x128xf32, #tpu.memory_space<vmem_shared>>)
      %dma_wait3A_58 = arith.constant 0 : i32
      %dma_wait3A_59 = arith.constant 0 : i32
      %dma_wait3A_60 = tpu.memref_slice %arg11[%dma_wait3A_58, %dma_wait3A_59] : memref<10240x128xf32, #tpu.memory_space<vmem_shared>> -> memref<10240x128xf32, #tpu.memory_space<vmem_shared>>
      tpu.wait_indirect_dma semaphore(%arg15 : memref<!tpu.dma_semaphore, #tpu.memory_space<semaphore_mem>>) src(%arg10 : memref<128x128xf32, #tpu.memory_space<vmem>>) dst(%dma_wait3A_60 : memref<10240x128xf32, #tpu.memory_space<vmem_shared>>)
    }
    %scan3A_15 = arith.constant 20 : i32
    %barrier3A_16 = arith.constant 0 : index
    tpu.barrier barrier_id(%barrier3A_16)
    %mul3A_17 = arith.constant 640 : i32
    %mul3A_18 = arith.muli %arg1, %mul3A_17 : i32
    %mul3A_19 = arith.constant 640 : i32
    %mul3A_20 = arith.muli %arg1, %mul3A_19 : i32
    "tpu.region"() ({
      %run_scoped3A = tpu.sem_alloc : memref<!tpu.dma_semaphore, #tpu.memory_space<semaphore_mem>>
      %dma_start3A_21 = arith.constant 0 : i32
      %dma_start3A_22 = tpu.memref_slice %arg5[%arg0, %mul3A_20, %dma_start3A_21] : memref<2x10240x128xf32, #tpu.memory_space<hbm>> -> memref<1x640x128xf32, #tpu.memory_space<hbm>>
      %dma_start3A_23 = tpu.memref_squeeze %dma_start3A_22 : memref<1x640x128xf32, #tpu.memory_space<hbm>> -> memref<640x128xf32, #tpu.memory_space<hbm>>
      %dma_start3A_24 = arith.constant 0 : i32
      %dma_start3A_25 = tpu.memref_slice %arg11[%mul3A_18, %dma_start3A_24] : memref<10240x128xf32, #tpu.memory_space<vmem_shared>> -> memref<640x128xf32, #tpu.memory_space<vmem_shared>>
      tpu.enqueue_dma source(%dma_start3A_25 : memref<640x128xf32, #tpu.memory_space<vmem_shared>>) target(%dma_start3A_23 : memref<640x128xf32, #tpu.memory_space<hbm>>) target_semaphore(%run_scoped3A : memref<!tpu.dma_semaphore, #tpu.memory_space<semaphore_mem>>)
      %dma_wait3A = arith.constant 0 : i32
      %dma_wait3A_26 = tpu.memref_slice %arg5[%arg0, %mul3A_20, %dma_wait3A] : memref<2x10240x128xf32, #tpu.memory_space<hbm>> -> memref<1x640x128xf32, #tpu.memory_space<hbm>>
      %dma_wait3A_27 = tpu.memref_squeeze %dma_wait3A_26 : memref<1x640x128xf32, #tpu.memory_space<hbm>> -> memref<640x128xf32, #tpu.memory_space<hbm>>
      %dma_wait3A_28 = arith.constant 0 : i32
      %dma_wait3A_29 = tpu.memref_slice %arg11[%mul3A_18, %dma_wait3A_28] : memref<10240x128xf32, #tpu.memory_space<vmem_shared>> -> memref<640x128xf32, #tpu.memory_space<vmem_shared>>
      tpu.wait_dma2 semaphore(%run_scoped3A : memref<!tpu.dma_semaphore, #tpu.memory_space<semaphore_mem>>) src(%dma_wait3A_29 : memref<640x128xf32, #tpu.memory_space<vmem_shared>>) dst(%dma_wait3A_27 : memref<640x128xf32, #tpu.memory_space<hbm>>)
      tpu.yield
    }) : () -> ()
    return
  }
}

#map = affine_map<(d0, d1) -> (0, 0)>
#map1 = affine_map<(d0, d1) -> (0)>
#map2 = affine_map<(d0, d1) -> (0, 0, 0)>
module attributes {stable_mosaic.version = 14 : i64} {
  func.func @_sc_scatter(%arg0: i32, %arg1: i32, %arg2: memref<10240x128xf32, #tpu.memory_space<hbm>>, %arg3: memref<327680xi32, #tpu.memory_space<hbm>>, %arg4: memref<327680xi32, #tpu.memory_space<hbm>>, %arg5: memref<10240x128xf32, #tpu.memory_space<hbm>>, %arg6: memref<2x10240x128xf32, #tpu.memory_space<hbm>>, %arg7: memref<128xi32, #tpu.memory_space<vmem>>, %arg8: memref<128xi32, #tpu.memory_space<vmem>>, %arg9: memref<128xi32, #tpu.memory_space<vmem>>, %arg10: memref<128xi32, #tpu.memory_space<vmem>>, %arg11: memref<128x128xf32, #tpu.memory_space<vmem>>, %arg12: memref<128x128xf32, #tpu.memory_space<vmem>>, %arg13: memref<10240x128xf32, #tpu.memory_space<vmem_shared>>, %arg14: memref<!tpu.dma_semaphore, #tpu.memory_space<semaphore_mem>>, %arg15: memref<!tpu.dma_semaphore, #tpu.memory_space<semaphore_mem>>) attributes {dimension_semantics = [#tpu.dimension_semantics<core_parallel>, #tpu.dimension_semantics<subcore_parallel>], iteration_bounds = array<i64: 2, 16>, scalar_prefetch = 0 : i64, scratch_operands = 9 : i64, tpu.core_type = #tpu.core_type<sc_vector_subcore>, window_params = [{transform_indices = #map}, {transform_indices = #map1}, {transform_indices = #map1}, {transform_indices = #map}, {transform_indices = #map2}]} {
    %eq3A = arith.constant 0 : i32
    %eq3A_0 = arith.cmpi eq, %arg0, %eq3A : i32
    %jit3A = arith.constant 154 : i32
    %jit3A_1 = arith.constant 6 : i32
    %select_n3A = arith.select %eq3A_0, %jit3A, %jit3A_1 : i32
    %eq3A_2 = arith.constant 0 : i32
    %eq3A_3 = arith.cmpi eq, %arg0, %eq3A_2 : i32
    %mul3A = arith.constant 154 : i32
    %mul3A_4 = arith.muli %arg1, %mul3A : i32
    %mul3A_5 = arith.constant 6 : i32
    %mul3A_6 = arith.muli %arg1, %mul3A_5 : i32
    %add3A = arith.constant 2464 : i32
    %add3A_7 = arith.addi %add3A, %mul3A_6 : i32
    %select_n3A_8 = arith.select %eq3A_3, %mul3A_4, %add3A_7 : i32
    %mul3A_9 = arith.constant 128 : i32
    %mul3A_10 = arith.muli %select_n3A_8, %mul3A_9 : i32
    %mul3A_11 = arith.constant 640 : i32
    %mul3A_12 = arith.muli %arg1, %mul3A_11 : i32
    %mul3A_13 = arith.constant 640 : i32
    %mul3A_14 = arith.muli %arg1, %mul3A_13 : i32
    "tpu.region"() ({
      %run_scoped3A = tpu.sem_alloc : memref<!tpu.dma_semaphore, #tpu.memory_space<semaphore_mem>>
      %dma_start3A = arith.constant 0 : i32
      %dma_start3A_40 = tpu.memref_slice %arg13[%mul3A_14, %dma_start3A] : memref<10240x128xf32, #tpu.memory_space<vmem_shared>> -> memref<640x128xf32, #tpu.memory_space<vmem_shared>>
      %dma_start3A_41 = arith.constant 0 : i32
      %dma_start3A_42 = tpu.memref_slice %arg5[%mul3A_12, %dma_start3A_41] : memref<10240x128xf32, #tpu.memory_space<hbm>> -> memref<640x128xf32, #tpu.memory_space<hbm>>
      tpu.enqueue_dma source(%dma_start3A_42 : memref<640x128xf32, #tpu.memory_space<hbm>>) target(%dma_start3A_40 : memref<640x128xf32, #tpu.memory_space<vmem_shared>>) target_semaphore(%run_scoped3A : memref<!tpu.dma_semaphore, #tpu.memory_space<semaphore_mem>>)
      %dma_wait3A = arith.constant 0 : i32
      %dma_wait3A_43 = tpu.memref_slice %arg13[%mul3A_14, %dma_wait3A] : memref<10240x128xf32, #tpu.memory_space<vmem_shared>> -> memref<640x128xf32, #tpu.memory_space<vmem_shared>>
      %dma_wait3A_44 = arith.constant 0 : i32
      %dma_wait3A_45 = tpu.memref_slice %arg5[%mul3A_12, %dma_wait3A_44] : memref<10240x128xf32, #tpu.memory_space<hbm>> -> memref<640x128xf32, #tpu.memory_space<hbm>>
      tpu.wait_dma2 semaphore(%run_scoped3A : memref<!tpu.dma_semaphore, #tpu.memory_space<semaphore_mem>>) src(%dma_wait3A_45 : memref<640x128xf32, #tpu.memory_space<hbm>>) dst(%dma_wait3A_43 : memref<640x128xf32, #tpu.memory_space<vmem_shared>>)
      tpu.yield
    }) : () -> ()
    %barrier3A = arith.constant 0 : index
    tpu.barrier barrier_id(%barrier3A)
    %jit3A_15 = arith.constant 2 : i32
    %div3A = arith.divsi %select_n3A, %jit3A_15 : i32
    %sign3A = arith.constant 0 : i32
    %sign3A_16 = arith.cmpi sgt, %select_n3A, %sign3A : i32
    %sign3A_17 = arith.extui %sign3A_16 : i1 to i32
    %sign3A_18 = arith.constant 0 : i32
    %sign3A_19 = arith.cmpi slt, %select_n3A, %sign3A_18 : i32
    %sign3A_20 = arith.extui %sign3A_19 : i1 to i32
    %sign3A_21 = arith.subi %sign3A_17, %sign3A_20 : i32
    %sign3A_22 = arith.constant 0 : i32
    %sign3A_23 = arith.cmpi sgt, %jit3A_15, %sign3A_22 : i32
    %sign3A_24 = arith.extui %sign3A_23 : i1 to i32
    %sign3A_25 = arith.constant 0 : i32
    %sign3A_26 = arith.cmpi slt, %jit3A_15, %sign3A_25 : i32
    %sign3A_27 = arith.extui %sign3A_26 : i1 to i32
    %sign3A_28 = arith.subi %sign3A_24, %sign3A_27 : i32
    %ne3A = arith.cmpi ne, %sign3A_21, %sign3A_28 : i32
    %rem3A = arith.remsi %select_n3A, %jit3A_15 : i32
    %ne3A_29 = arith.constant 0 : i32
    %ne3A_30 = arith.cmpi ne, %rem3A, %ne3A_29 : i32
    %and3A = arith.andi %ne3A, %ne3A_30 : i1
    %sub3A = arith.constant 1 : i32
    %sub3A_31 = arith.subi %div3A, %sub3A : i32
    %select_n3A_32 = arith.select %and3A, %sub3A_31, %div3A : i32
    %gt3A = arith.constant 0 : i32
    %gt3A_33 = arith.cmpi sgt, %select_n3A, %gt3A : i32
    %convert_element_type3A = arith.extui %gt3A_33 : i1 to i32
    %cond3A = arith.constant 0 : i32
    %cond3A_34 = arith.cmpi ne, %convert_element_type3A, %cond3A : i32
    scf.if %cond3A_34 {
      "tpu.region"() ({
        %run_scoped3A = tpu.sem_alloc : memref<!tpu.dma_semaphore, #tpu.memory_space<semaphore_mem>>
        %dma_start3A_51 = tpu.memref_slice %arg3[%mul3A_10] : memref<327680xi32, #tpu.memory_space<hbm>> -> memref<128xi32, #tpu.memory_space<hbm>>
        %dma_start3A_52 = tpu.memref_slice %arg3[%mul3A_10] : memref<327680xi32, #tpu.memory_space<hbm>> -> memref<128xi32, #tpu.memory_space<hbm>>
        tpu.enqueue_dma source(%dma_start3A_52 : memref<128xi32, #tpu.memory_space<hbm>>) target(%arg7 : memref<128xi32, #tpu.memory_space<vmem>>) target_semaphore(%run_scoped3A : memref<!tpu.dma_semaphore, #tpu.memory_space<semaphore_mem>>)
        %dma_wait3A = tpu.memref_slice %arg3[%mul3A_10] : memref<327680xi32, #tpu.memory_space<hbm>> -> memref<128xi32, #tpu.memory_space<hbm>>
        %dma_wait3A_53 = tpu.memref_slice %arg3[%mul3A_10] : memref<327680xi32, #tpu.memory_space<hbm>> -> memref<128xi32, #tpu.memory_space<hbm>>
        tpu.wait_dma2 semaphore(%run_scoped3A : memref<!tpu.dma_semaphore, #tpu.memory_space<semaphore_mem>>) src(%dma_wait3A_53 : memref<128xi32, #tpu.memory_space<hbm>>) dst(%arg7 : memref<128xi32, #tpu.memory_space<vmem>>)
        tpu.yield
      }) : () -> ()
      "tpu.region"() ({
        %run_scoped3A = tpu.sem_alloc : memref<!tpu.dma_semaphore, #tpu.memory_space<semaphore_mem>>
        %dma_start3A_51 = tpu.memref_slice %arg4[%mul3A_10] : memref<327680xi32, #tpu.memory_space<hbm>> -> memref<128xi32, #tpu.memory_space<hbm>>
        %dma_start3A_52 = tpu.memref_slice %arg4[%mul3A_10] : memref<327680xi32, #tpu.memory_space<hbm>> -> memref<128xi32, #tpu.memory_space<hbm>>
        tpu.enqueue_dma source(%dma_start3A_52 : memref<128xi32, #tpu.memory_space<hbm>>) target(%arg8 : memref<128xi32, #tpu.memory_space<vmem>>) target_semaphore(%run_scoped3A : memref<!tpu.dma_semaphore, #tpu.memory_space<semaphore_mem>>)
        %dma_wait3A = tpu.memref_slice %arg4[%mul3A_10] : memref<327680xi32, #tpu.memory_space<hbm>> -> memref<128xi32, #tpu.memory_space<hbm>>
        %dma_wait3A_53 = tpu.memref_slice %arg4[%mul3A_10] : memref<327680xi32, #tpu.memory_space<hbm>> -> memref<128xi32, #tpu.memory_space<hbm>>
        tpu.wait_dma2 semaphore(%run_scoped3A : memref<!tpu.dma_semaphore, #tpu.memory_space<semaphore_mem>>) src(%dma_wait3A_53 : memref<128xi32, #tpu.memory_space<hbm>>) dst(%arg8 : memref<128xi32, #tpu.memory_space<vmem>>)
        tpu.yield
      }) : () -> ()
      %dma_start3A = arith.constant 0 : i32
      %dma_start3A_40 = arith.constant 0 : i32
      %dma_start3A_41 = tpu.memref_slice %arg2[%dma_start3A, %dma_start3A_40] : memref<10240x128xf32, #tpu.memory_space<hbm>> -> memref<10240x128xf32, #tpu.memory_space<hbm>>
      tpu.enqueue_indirect_dma source(%dma_start3A_41 : memref<10240x128xf32, #tpu.memory_space<hbm>>) target(%arg11 : memref<128x128xf32, #tpu.memory_space<vmem>>) offsets(%arg7 : memref<128xi32, #tpu.memory_space<vmem>>) semaphore(%arg14 : memref<!tpu.dma_semaphore, #tpu.memory_space<semaphore_mem>>)
      %while3A = arith.constant 0 : i32
      %while3A_42 = arith.constant 0 : i32
      %while3A_43 = arith.subi %select_n3A_32, %while3A_42 : i32
      %while3A_44 = arith.addi %while3A_42, %while3A_43 : i32
      %while3A_45 = arith.constant 1 : i32
      %while3A_46 = arith.divsi %while3A_43, %while3A_45 : i32
      %while3A_47 = arith.muli %while3A_46, %while3A_45 : i32
      %while3A_48 = arith.addi %while3A_42, %while3A_47 : i32
      %while3A_49 = arith.constant 1 : i32
      scf.for %while3A_51 = %while3A_42 to %while3A_48 step %while3A_49  : i32 {
        %mul3A_52 = arith.constant 2 : i32
        %mul3A_53 = arith.muli %mul3A_52, %while3A_51 : i32
        %add3A_54 = arith.constant 1 : i32
        %add3A_55 = arith.addi %mul3A_53, %add3A_54 : i32
        %mul3A_56 = arith.constant 128 : i32
        %mul3A_57 = arith.muli %add3A_55, %mul3A_56 : i32
        %add3A_58 = arith.addi %mul3A_10, %mul3A_57 : i32
        "tpu.region"() ({
          %run_scoped3A = tpu.sem_alloc : memref<!tpu.dma_semaphore, #tpu.memory_space<semaphore_mem>>
          %dma_start3A_75 = tpu.memref_slice %arg3[%add3A_58] : memref<327680xi32, #tpu.memory_space<hbm>> -> memref<128xi32, #tpu.memory_space<hbm>>
          %dma_start3A_76 = tpu.memref_slice %arg3[%add3A_58] : memref<327680xi32, #tpu.memory_space<hbm>> -> memref<128xi32, #tpu.memory_space<hbm>>
          tpu.enqueue_dma source(%dma_start3A_76 : memref<128xi32, #tpu.memory_space<hbm>>) target(%arg9 : memref<128xi32, #tpu.memory_space<vmem>>) target_semaphore(%run_scoped3A : memref<!tpu.dma_semaphore, #tpu.memory_space<semaphore_mem>>)
          %dma_wait3A_77 = tpu.memref_slice %arg3[%add3A_58] : memref<327680xi32, #tpu.memory_space<hbm>> -> memref<128xi32, #tpu.memory_space<hbm>>
          %dma_wait3A_78 = tpu.memref_slice %arg3[%add3A_58] : memref<327680xi32, #tpu.memory_space<hbm>> -> memref<128xi32, #tpu.memory_space<hbm>>
          tpu.wait_dma2 semaphore(%run_scoped3A : memref<!tpu.dma_semaphore, #tpu.memory_space<semaphore_mem>>) src(%dma_wait3A_78 : memref<128xi32, #tpu.memory_space<hbm>>) dst(%arg9 : memref<128xi32, #tpu.memory_space<vmem>>)
          tpu.yield
        }) : () -> ()
        %mul3A_59 = arith.constant 128 : i32
        %mul3A_60 = arith.muli %add3A_55, %mul3A_59 : i32
        %add3A_61 = arith.addi %mul3A_10, %mul3A_60 : i32
        "tpu.region"() ({
          %run_scoped3A = tpu.sem_alloc : memref<!tpu.dma_semaphore, #tpu.memory_space<semaphore_mem>>
          %dma_start3A_75 = tpu.memref_slice %arg4[%add3A_61] : memref<327680xi32, #tpu.memory_space<hbm>> -> memref<128xi32, #tpu.memory_space<hbm>>
          %dma_start3A_76 = tpu.memref_slice %arg4[%add3A_61] : memref<327680xi32, #tpu.memory_space<hbm>> -> memref<128xi32, #tpu.memory_space<hbm>>
          tpu.enqueue_dma source(%dma_start3A_76 : memref<128xi32, #tpu.memory_space<hbm>>) target(%arg10 : memref<128xi32, #tpu.memory_space<vmem>>) target_semaphore(%run_scoped3A : memref<!tpu.dma_semaphore, #tpu.memory_space<semaphore_mem>>)
          %dma_wait3A_77 = tpu.memref_slice %arg4[%add3A_61] : memref<327680xi32, #tpu.memory_space<hbm>> -> memref<128xi32, #tpu.memory_space<hbm>>
          %dma_wait3A_78 = tpu.memref_slice %arg4[%add3A_61] : memref<327680xi32, #tpu.memory_space<hbm>> -> memref<128xi32, #tpu.memory_space<hbm>>
          tpu.wait_dma2 semaphore(%run_scoped3A : memref<!tpu.dma_semaphore, #tpu.memory_space<semaphore_mem>>) src(%dma_wait3A_78 : memref<128xi32, #tpu.memory_space<hbm>>) dst(%arg10 : memref<128xi32, #tpu.memory_space<vmem>>)
          tpu.yield
        }) : () -> ()
        %dma_start3A_62 = arith.constant 0 : i32
        %dma_start3A_63 = arith.constant 0 : i32
        %dma_start3A_64 = tpu.memref_slice %arg2[%dma_start3A_62, %dma_start3A_63] : memref<10240x128xf32, #tpu.memory_space<hbm>> -> memref<10240x128xf32, #tpu.memory_space<hbm>>
        tpu.enqueue_indirect_dma source(%dma_start3A_64 : memref<10240x128xf32, #tpu.memory_space<hbm>>) target(%arg12 : memref<128x128xf32, #tpu.memory_space<vmem>>) offsets(%arg9 : memref<128xi32, #tpu.memory_space<vmem>>) semaphore(%arg15 : memref<!tpu.dma_semaphore, #tpu.memory_space<semaphore_mem>>)
        %dma_wait3A = arith.constant 0 : i32
        %dma_wait3A_65 = arith.constant 0 : i32
        %dma_wait3A_66 = tpu.memref_slice %arg2[%dma_wait3A, %dma_wait3A_65] : memref<10240x128xf32, #tpu.memory_space<hbm>> -> memref<10240x128xf32, #tpu.memory_space<hbm>>
        tpu.wait_indirect_dma semaphore(%arg14 : memref<!tpu.dma_semaphore, #tpu.memory_space<semaphore_mem>>) src(%dma_wait3A_66 : memref<10240x128xf32, #tpu.memory_space<hbm>>) dst(%arg11 : memref<128x128xf32, #tpu.memory_space<vmem>>)
        "tpu.region"() ({
          %run_scoped3A = tpu.sem_alloc : memref<!tpu.dma_semaphore, #tpu.memory_space<semaphore_mem>>
          %dma_start3A_75 = arith.constant 0 : i32
          %dma_start3A_76 = arith.constant 0 : i32
          %dma_start3A_77 = tpu.memref_slice %arg13[%dma_start3A_75, %dma_start3A_76] : memref<10240x128xf32, #tpu.memory_space<vmem_shared>> -> memref<10240x128xf32, #tpu.memory_space<vmem_shared>>
          tpu.enqueue_indirect_dma source(%arg11 : memref<128x128xf32, #tpu.memory_space<vmem>>) target(%dma_start3A_77 : memref<10240x128xf32, #tpu.memory_space<vmem_shared>>) offsets(%arg8 : memref<128xi32, #tpu.memory_space<vmem>>) semaphore(%run_scoped3A : memref<!tpu.dma_semaphore, #tpu.memory_space<semaphore_mem>>) {add = true}
          %dma_wait3A_78 = arith.constant 0 : i32
          %dma_wait3A_79 = arith.constant 0 : i32
          %dma_wait3A_80 = tpu.memref_slice %arg13[%dma_wait3A_78, %dma_wait3A_79] : memref<10240x128xf32, #tpu.memory_space<vmem_shared>> -> memref<10240x128xf32, #tpu.memory_space<vmem_shared>>
          tpu.wait_indirect_dma semaphore(%run_scoped3A : memref<!tpu.dma_semaphore, #tpu.memory_space<semaphore_mem>>) src(%arg11 : memref<128x128xf32, #tpu.memory_space<vmem>>) dst(%dma_wait3A_80 : memref<10240x128xf32, #tpu.memory_space<vmem_shared>>)
          tpu.yield
        }) : () -> ()
        %sub3A_67 = arith.constant 1 : i32
        %sub3A_68 = arith.subi %select_n3A_32, %sub3A_67 : i32
        %lt3A = arith.cmpi slt, %while3A_51, %sub3A_68 : i32
        %convert_element_type3A_69 = arith.extui %lt3A : i1 to i32
        %cond3A_70 = arith.constant 0 : i32
        %cond3A_71 = arith.cmpi ne, %convert_element_type3A_69, %cond3A_70 : i32
        scf.if %cond3A_71 {
          %add3A_75 = arith.constant 1 : i32
          %add3A_76 = arith.addi %add3A_55, %add3A_75 : i32
          %mul3A_77 = arith.constant 128 : i32
          %mul3A_78 = arith.muli %add3A_76, %mul3A_77 : i32
          %add3A_79 = arith.addi %mul3A_10, %mul3A_78 : i32
          "tpu.region"() ({
            %run_scoped3A = tpu.sem_alloc : memref<!tpu.dma_semaphore, #tpu.memory_space<semaphore_mem>>
            %dma_start3A_88 = tpu.memref_slice %arg3[%add3A_79] : memref<327680xi32, #tpu.memory_space<hbm>> -> memref<128xi32, #tpu.memory_space<hbm>>
            %dma_start3A_89 = tpu.memref_slice %arg3[%add3A_79] : memref<327680xi32, #tpu.memory_space<hbm>> -> memref<128xi32, #tpu.memory_space<hbm>>
            tpu.enqueue_dma source(%dma_start3A_89 : memref<128xi32, #tpu.memory_space<hbm>>) target(%arg7 : memref<128xi32, #tpu.memory_space<vmem>>) target_semaphore(%run_scoped3A : memref<!tpu.dma_semaphore, #tpu.memory_space<semaphore_mem>>)
            %dma_wait3A_90 = tpu.memref_slice %arg3[%add3A_79] : memref<327680xi32, #tpu.memory_space<hbm>> -> memref<128xi32, #tpu.memory_space<hbm>>
            %dma_wait3A_91 = tpu.memref_slice %arg3[%add3A_79] : memref<327680xi32, #tpu.memory_space<hbm>> -> memref<128xi32, #tpu.memory_space<hbm>>
            tpu.wait_dma2 semaphore(%run_scoped3A : memref<!tpu.dma_semaphore, #tpu.memory_space<semaphore_mem>>) src(%dma_wait3A_91 : memref<128xi32, #tpu.memory_space<hbm>>) dst(%arg7 : memref<128xi32, #tpu.memory_space<vmem>>)
            tpu.yield
          }) : () -> ()
          %add3A_80 = arith.constant 1 : i32
          %add3A_81 = arith.addi %add3A_55, %add3A_80 : i32
          %mul3A_82 = arith.constant 128 : i32
          %mul3A_83 = arith.muli %add3A_81, %mul3A_82 : i32
          %add3A_84 = arith.addi %mul3A_10, %mul3A_83 : i32
          "tpu.region"() ({
            %run_scoped3A = tpu.sem_alloc : memref<!tpu.dma_semaphore, #tpu.memory_space<semaphore_mem>>
            %dma_start3A_88 = tpu.memref_slice %arg4[%add3A_84] : memref<327680xi32, #tpu.memory_space<hbm>> -> memref<128xi32, #tpu.memory_space<hbm>>
            %dma_start3A_89 = tpu.memref_slice %arg4[%add3A_84] : memref<327680xi32, #tpu.memory_space<hbm>> -> memref<128xi32, #tpu.memory_space<hbm>>
            tpu.enqueue_dma source(%dma_start3A_89 : memref<128xi32, #tpu.memory_space<hbm>>) target(%arg8 : memref<128xi32, #tpu.memory_space<vmem>>) target_semaphore(%run_scoped3A : memref<!tpu.dma_semaphore, #tpu.memory_space<semaphore_mem>>)
            %dma_wait3A_90 = tpu.memref_slice %arg4[%add3A_84] : memref<327680xi32, #tpu.memory_space<hbm>> -> memref<128xi32, #tpu.memory_space<hbm>>
            %dma_wait3A_91 = tpu.memref_slice %arg4[%add3A_84] : memref<327680xi32, #tpu.memory_space<hbm>> -> memref<128xi32, #tpu.memory_space<hbm>>
            tpu.wait_dma2 semaphore(%run_scoped3A : memref<!tpu.dma_semaphore, #tpu.memory_space<semaphore_mem>>) src(%dma_wait3A_91 : memref<128xi32, #tpu.memory_space<hbm>>) dst(%arg8 : memref<128xi32, #tpu.memory_space<vmem>>)
            tpu.yield
          }) : () -> ()
          %dma_start3A_85 = arith.constant 0 : i32
          %dma_start3A_86 = arith.constant 0 : i32
          %dma_start3A_87 = tpu.memref_slice %arg2[%dma_start3A_85, %dma_start3A_86] : memref<10240x128xf32, #tpu.memory_space<hbm>> -> memref<10240x128xf32, #tpu.memory_space<hbm>>
          tpu.enqueue_indirect_dma source(%dma_start3A_87 : memref<10240x128xf32, #tpu.memory_space<hbm>>) target(%arg11 : memref<128x128xf32, #tpu.memory_space<vmem>>) offsets(%arg7 : memref<128xi32, #tpu.memory_space<vmem>>) semaphore(%arg14 : memref<!tpu.dma_semaphore, #tpu.memory_space<semaphore_mem>>)
        } else {
        }
        %dma_wait3A_72 = arith.constant 0 : i32
        %dma_wait3A_73 = arith.constant 0 : i32
        %dma_wait3A_74 = tpu.memref_slice %arg2[%dma_wait3A_72, %dma_wait3A_73] : memref<10240x128xf32, #tpu.memory_space<hbm>> -> memref<10240x128xf32, #tpu.memory_space<hbm>>
        tpu.wait_indirect_dma semaphore(%arg15 : memref<!tpu.dma_semaphore, #tpu.memory_space<semaphore_mem>>) src(%dma_wait3A_74 : memref<10240x128xf32, #tpu.memory_space<hbm>>) dst(%arg12 : memref<128x128xf32, #tpu.memory_space<vmem>>)
        "tpu.region"() ({
          %run_scoped3A = tpu.sem_alloc : memref<!tpu.dma_semaphore, #tpu.memory_space<semaphore_mem>>
          %dma_start3A_75 = arith.constant 0 : i32
          %dma_start3A_76 = arith.constant 0 : i32
          %dma_start3A_77 = tpu.memref_slice %arg13[%dma_start3A_75, %dma_start3A_76] : memref<10240x128xf32, #tpu.memory_space<vmem_shared>> -> memref<10240x128xf32, #tpu.memory_space<vmem_shared>>
          tpu.enqueue_indirect_dma source(%arg12 : memref<128x128xf32, #tpu.memory_space<vmem>>) target(%dma_start3A_77 : memref<10240x128xf32, #tpu.memory_space<vmem_shared>>) offsets(%arg10 : memref<128xi32, #tpu.memory_space<vmem>>) semaphore(%run_scoped3A : memref<!tpu.dma_semaphore, #tpu.memory_space<semaphore_mem>>) {add = true}
          %dma_wait3A_78 = arith.constant 0 : i32
          %dma_wait3A_79 = arith.constant 0 : i32
          %dma_wait3A_80 = tpu.memref_slice %arg13[%dma_wait3A_78, %dma_wait3A_79] : memref<10240x128xf32, #tpu.memory_space<vmem_shared>> -> memref<10240x128xf32, #tpu.memory_space<vmem_shared>>
          tpu.wait_indirect_dma semaphore(%run_scoped3A : memref<!tpu.dma_semaphore, #tpu.memory_space<semaphore_mem>>) src(%arg12 : memref<128x128xf32, #tpu.memory_space<vmem>>) dst(%dma_wait3A_80 : memref<10240x128xf32, #tpu.memory_space<vmem_shared>>)
          tpu.yield
        }) : () -> ()
      }
      %while3A_50 = arith.constant 1 : i32
      scf.for %while3A_51 = %while3A_48 to %while3A_44 step %while3A_50  : i32 {
        %mul3A_52 = arith.constant 2 : i32
        %mul3A_53 = arith.muli %mul3A_52, %while3A_51 : i32
        %add3A_54 = arith.constant 1 : i32
        %add3A_55 = arith.addi %mul3A_53, %add3A_54 : i32
        %mul3A_56 = arith.constant 128 : i32
        %mul3A_57 = arith.muli %add3A_55, %mul3A_56 : i32
        %add3A_58 = arith.addi %mul3A_10, %mul3A_57 : i32
        "tpu.region"() ({
          %run_scoped3A = tpu.sem_alloc : memref<!tpu.dma_semaphore, #tpu.memory_space<semaphore_mem>>
          %dma_start3A_75 = tpu.memref_slice %arg3[%add3A_58] : memref<327680xi32, #tpu.memory_space<hbm>> -> memref<128xi32, #tpu.memory_space<hbm>>
          %dma_start3A_76 = tpu.memref_slice %arg3[%add3A_58] : memref<327680xi32, #tpu.memory_space<hbm>> -> memref<128xi32, #tpu.memory_space<hbm>>
          tpu.enqueue_dma source(%dma_start3A_76 : memref<128xi32, #tpu.memory_space<hbm>>) target(%arg9 : memref<128xi32, #tpu.memory_space<vmem>>) target_semaphore(%run_scoped3A : memref<!tpu.dma_semaphore, #tpu.memory_space<semaphore_mem>>)
          %dma_wait3A_77 = tpu.memref_slice %arg3[%add3A_58] : memref<327680xi32, #tpu.memory_space<hbm>> -> memref<128xi32, #tpu.memory_space<hbm>>
          %dma_wait3A_78 = tpu.memref_slice %arg3[%add3A_58] : memref<327680xi32, #tpu.memory_space<hbm>> -> memref<128xi32, #tpu.memory_space<hbm>>
          tpu.wait_dma2 semaphore(%run_scoped3A : memref<!tpu.dma_semaphore, #tpu.memory_space<semaphore_mem>>) src(%dma_wait3A_78 : memref<128xi32, #tpu.memory_space<hbm>>) dst(%arg9 : memref<128xi32, #tpu.memory_space<vmem>>)
          tpu.yield
        }) : () -> ()
        %mul3A_59 = arith.constant 128 : i32
        %mul3A_60 = arith.muli %add3A_55, %mul3A_59 : i32
        %add3A_61 = arith.addi %mul3A_10, %mul3A_60 : i32
        "tpu.region"() ({
          %run_scoped3A = tpu.sem_alloc : memref<!tpu.dma_semaphore, #tpu.memory_space<semaphore_mem>>
          %dma_start3A_75 = tpu.memref_slice %arg4[%add3A_61] : memref<327680xi32, #tpu.memory_space<hbm>> -> memref<128xi32, #tpu.memory_space<hbm>>
          %dma_start3A_76 = tpu.memref_slice %arg4[%add3A_61] : memref<327680xi32, #tpu.memory_space<hbm>> -> memref<128xi32, #tpu.memory_space<hbm>>
          tpu.enqueue_dma source(%dma_start3A_76 : memref<128xi32, #tpu.memory_space<hbm>>) target(%arg10 : memref<128xi32, #tpu.memory_space<vmem>>) target_semaphore(%run_scoped3A : memref<!tpu.dma_semaphore, #tpu.memory_space<semaphore_mem>>)
          %dma_wait3A_77 = tpu.memref_slice %arg4[%add3A_61] : memref<327680xi32, #tpu.memory_space<hbm>> -> memref<128xi32, #tpu.memory_space<hbm>>
          %dma_wait3A_78 = tpu.memref_slice %arg4[%add3A_61] : memref<327680xi32, #tpu.memory_space<hbm>> -> memref<128xi32, #tpu.memory_space<hbm>>
          tpu.wait_dma2 semaphore(%run_scoped3A : memref<!tpu.dma_semaphore, #tpu.memory_space<semaphore_mem>>) src(%dma_wait3A_78 : memref<128xi32, #tpu.memory_space<hbm>>) dst(%arg10 : memref<128xi32, #tpu.memory_space<vmem>>)
          tpu.yield
        }) : () -> ()
        %dma_start3A_62 = arith.constant 0 : i32
        %dma_start3A_63 = arith.constant 0 : i32
        %dma_start3A_64 = tpu.memref_slice %arg2[%dma_start3A_62, %dma_start3A_63] : memref<10240x128xf32, #tpu.memory_space<hbm>> -> memref<10240x128xf32, #tpu.memory_space<hbm>>
        tpu.enqueue_indirect_dma source(%dma_start3A_64 : memref<10240x128xf32, #tpu.memory_space<hbm>>) target(%arg12 : memref<128x128xf32, #tpu.memory_space<vmem>>) offsets(%arg9 : memref<128xi32, #tpu.memory_space<vmem>>) semaphore(%arg15 : memref<!tpu.dma_semaphore, #tpu.memory_space<semaphore_mem>>)
        %dma_wait3A = arith.constant 0 : i32
        %dma_wait3A_65 = arith.constant 0 : i32
        %dma_wait3A_66 = tpu.memref_slice %arg2[%dma_wait3A, %dma_wait3A_65] : memref<10240x128xf32, #tpu.memory_space<hbm>> -> memref<10240x128xf32, #tpu.memory_space<hbm>>
        tpu.wait_indirect_dma semaphore(%arg14 : memref<!tpu.dma_semaphore, #tpu.memory_space<semaphore_mem>>) src(%dma_wait3A_66 : memref<10240x128xf32, #tpu.memory_space<hbm>>) dst(%arg11 : memref<128x128xf32, #tpu.memory_space<vmem>>)
        "tpu.region"() ({
          %run_scoped3A = tpu.sem_alloc : memref<!tpu.dma_semaphore, #tpu.memory_space<semaphore_mem>>
          %dma_start3A_75 = arith.constant 0 : i32
          %dma_start3A_76 = arith.constant 0 : i32
          %dma_start3A_77 = tpu.memref_slice %arg13[%dma_start3A_75, %dma_start3A_76] : memref<10240x128xf32, #tpu.memory_space<vmem_shared>> -> memref<10240x128xf32, #tpu.memory_space<vmem_shared>>
          tpu.enqueue_indirect_dma source(%arg11 : memref<128x128xf32, #tpu.memory_space<vmem>>) target(%dma_start3A_77 : memref<10240x128xf32, #tpu.memory_space<vmem_shared>>) offsets(%arg8 : memref<128xi32, #tpu.memory_space<vmem>>) semaphore(%run_scoped3A : memref<!tpu.dma_semaphore, #tpu.memory_space<semaphore_mem>>) {add = true}
          %dma_wait3A_78 = arith.constant 0 : i32
          %dma_wait3A_79 = arith.constant 0 : i32
          %dma_wait3A_80 = tpu.memref_slice %arg13[%dma_wait3A_78, %dma_wait3A_79] : memref<10240x128xf32, #tpu.memory_space<vmem_shared>> -> memref<10240x128xf32, #tpu.memory_space<vmem_shared>>
          tpu.wait_indirect_dma semaphore(%run_scoped3A : memref<!tpu.dma_semaphore, #tpu.memory_space<semaphore_mem>>) src(%arg11 : memref<128x128xf32, #tpu.memory_space<vmem>>) dst(%dma_wait3A_80 : memref<10240x128xf32, #tpu.memory_space<vmem_shared>>)
          tpu.yield
        }) : () -> ()
        %sub3A_67 = arith.constant 1 : i32
        %sub3A_68 = arith.subi %select_n3A_32, %sub3A_67 : i32
        %lt3A = arith.cmpi slt, %while3A_51, %sub3A_68 : i32
        %convert_element_type3A_69 = arith.extui %lt3A : i1 to i32
        %cond3A_70 = arith.constant 0 : i32
        %cond3A_71 = arith.cmpi ne, %convert_element_type3A_69, %cond3A_70 : i32
        scf.if %cond3A_71 {
          %add3A_75 = arith.constant 1 : i32
          %add3A_76 = arith.addi %add3A_55, %add3A_75 : i32
          %mul3A_77 = arith.constant 128 : i32
          %mul3A_78 = arith.muli %add3A_76, %mul3A_77 : i32
          %add3A_79 = arith.addi %mul3A_10, %mul3A_78 : i32
          "tpu.region"() ({
            %run_scoped3A = tpu.sem_alloc : memref<!tpu.dma_semaphore, #tpu.memory_space<semaphore_mem>>
            %dma_start3A_88 = tpu.memref_slice %arg3[%add3A_79] : memref<327680xi32, #tpu.memory_space<hbm>> -> memref<128xi32, #tpu.memory_space<hbm>>
            %dma_start3A_89 = tpu.memref_slice %arg3[%add3A_79] : memref<327680xi32, #tpu.memory_space<hbm>> -> memref<128xi32, #tpu.memory_space<hbm>>
            tpu.enqueue_dma source(%dma_start3A_89 : memref<128xi32, #tpu.memory_space<hbm>>) target(%arg7 : memref<128xi32, #tpu.memory_space<vmem>>) target_semaphore(%run_scoped3A : memref<!tpu.dma_semaphore, #tpu.memory_space<semaphore_mem>>)
            %dma_wait3A_90 = tpu.memref_slice %arg3[%add3A_79] : memref<327680xi32, #tpu.memory_space<hbm>> -> memref<128xi32, #tpu.memory_space<hbm>>
            %dma_wait3A_91 = tpu.memref_slice %arg3[%add3A_79] : memref<327680xi32, #tpu.memory_space<hbm>> -> memref<128xi32, #tpu.memory_space<hbm>>
            tpu.wait_dma2 semaphore(%run_scoped3A : memref<!tpu.dma_semaphore, #tpu.memory_space<semaphore_mem>>) src(%dma_wait3A_91 : memref<128xi32, #tpu.memory_space<hbm>>) dst(%arg7 : memref<128xi32, #tpu.memory_space<vmem>>)
            tpu.yield
          }) : () -> ()
          %add3A_80 = arith.constant 1 : i32
          %add3A_81 = arith.addi %add3A_55, %add3A_80 : i32
          %mul3A_82 = arith.constant 128 : i32
          %mul3A_83 = arith.muli %add3A_81, %mul3A_82 : i32
          %add3A_84 = arith.addi %mul3A_10, %mul3A_83 : i32
          "tpu.region"() ({
            %run_scoped3A = tpu.sem_alloc : memref<!tpu.dma_semaphore, #tpu.memory_space<semaphore_mem>>
            %dma_start3A_88 = tpu.memref_slice %arg4[%add3A_84] : memref<327680xi32, #tpu.memory_space<hbm>> -> memref<128xi32, #tpu.memory_space<hbm>>
            %dma_start3A_89 = tpu.memref_slice %arg4[%add3A_84] : memref<327680xi32, #tpu.memory_space<hbm>> -> memref<128xi32, #tpu.memory_space<hbm>>
            tpu.enqueue_dma source(%dma_start3A_89 : memref<128xi32, #tpu.memory_space<hbm>>) target(%arg8 : memref<128xi32, #tpu.memory_space<vmem>>) target_semaphore(%run_scoped3A : memref<!tpu.dma_semaphore, #tpu.memory_space<semaphore_mem>>)
            %dma_wait3A_90 = tpu.memref_slice %arg4[%add3A_84] : memref<327680xi32, #tpu.memory_space<hbm>> -> memref<128xi32, #tpu.memory_space<hbm>>
            %dma_wait3A_91 = tpu.memref_slice %arg4[%add3A_84] : memref<327680xi32, #tpu.memory_space<hbm>> -> memref<128xi32, #tpu.memory_space<hbm>>
            tpu.wait_dma2 semaphore(%run_scoped3A : memref<!tpu.dma_semaphore, #tpu.memory_space<semaphore_mem>>) src(%dma_wait3A_91 : memref<128xi32, #tpu.memory_space<hbm>>) dst(%arg8 : memref<128xi32, #tpu.memory_space<vmem>>)
            tpu.yield
          }) : () -> ()
          %dma_start3A_85 = arith.constant 0 : i32
          %dma_start3A_86 = arith.constant 0 : i32
          %dma_start3A_87 = tpu.memref_slice %arg2[%dma_start3A_85, %dma_start3A_86] : memref<10240x128xf32, #tpu.memory_space<hbm>> -> memref<10240x128xf32, #tpu.memory_space<hbm>>
          tpu.enqueue_indirect_dma source(%dma_start3A_87 : memref<10240x128xf32, #tpu.memory_space<hbm>>) target(%arg11 : memref<128x128xf32, #tpu.memory_space<vmem>>) offsets(%arg7 : memref<128xi32, #tpu.memory_space<vmem>>) semaphore(%arg14 : memref<!tpu.dma_semaphore, #tpu.memory_space<semaphore_mem>>)
        } else {
        }
        %dma_wait3A_72 = arith.constant 0 : i32
        %dma_wait3A_73 = arith.constant 0 : i32
        %dma_wait3A_74 = tpu.memref_slice %arg2[%dma_wait3A_72, %dma_wait3A_73] : memref<10240x128xf32, #tpu.memory_space<hbm>> -> memref<10240x128xf32, #tpu.memory_space<hbm>>
        tpu.wait_indirect_dma semaphore(%arg15 : memref<!tpu.dma_semaphore, #tpu.memory_space<semaphore_mem>>) src(%dma_wait3A_74 : memref<10240x128xf32, #tpu.memory_space<hbm>>) dst(%arg12 : memref<128x128xf32, #tpu.memory_space<vmem>>)
        "tpu.region"() ({
          %run_scoped3A = tpu.sem_alloc : memref<!tpu.dma_semaphore, #tpu.memory_space<semaphore_mem>>
          %dma_start3A_75 = arith.constant 0 : i32
          %dma_start3A_76 = arith.constant 0 : i32
          %dma_start3A_77 = tpu.memref_slice %arg13[%dma_start3A_75, %dma_start3A_76] : memref<10240x128xf32, #tpu.memory_space<vmem_shared>> -> memref<10240x128xf32, #tpu.memory_space<vmem_shared>>
          tpu.enqueue_indirect_dma source(%arg12 : memref<128x128xf32, #tpu.memory_space<vmem>>) target(%dma_start3A_77 : memref<10240x128xf32, #tpu.memory_space<vmem_shared>>) offsets(%arg10 : memref<128xi32, #tpu.memory_space<vmem>>) semaphore(%run_scoped3A : memref<!tpu.dma_semaphore, #tpu.memory_space<semaphore_mem>>) {add = true}
          %dma_wait3A_78 = arith.constant 0 : i32
          %dma_wait3A_79 = arith.constant 0 : i32
          %dma_wait3A_80 = tpu.memref_slice %arg13[%dma_wait3A_78, %dma_wait3A_79] : memref<10240x128xf32, #tpu.memory_space<vmem_shared>> -> memref<10240x128xf32, #tpu.memory_space<vmem_shared>>
          tpu.wait_indirect_dma semaphore(%run_scoped3A : memref<!tpu.dma_semaphore, #tpu.memory_space<semaphore_mem>>) src(%arg12 : memref<128x128xf32, #tpu.memory_space<vmem>>) dst(%dma_wait3A_80 : memref<10240x128xf32, #tpu.memory_space<vmem_shared>>)
          tpu.yield
        }) : () -> ()
      }
    } else {
    }
    %barrier3A_35 = arith.constant 0 : index
    tpu.barrier barrier_id(%barrier3A_35)
    %mul3A_36 = arith.constant 640 : i32
    %mul3A_37 = arith.muli %arg1, %mul3A_36 : i32
    %mul3A_38 = arith.constant 640 : i32
    %mul3A_39 = arith.muli %arg1, %mul3A_38 : i32
    "tpu.region"() ({
      %run_scoped3A = tpu.sem_alloc : memref<!tpu.dma_semaphore, #tpu.memory_space<semaphore_mem>>
      %dma_start3A = arith.constant 0 : i32
      %dma_start3A_40 = tpu.memref_slice %arg6[%arg0, %mul3A_39, %dma_start3A] : memref<2x10240x128xf32, #tpu.memory_space<hbm>> -> memref<1x640x128xf32, #tpu.memory_space<hbm>>
      %dma_start3A_41 = tpu.memref_squeeze %dma_start3A_40 : memref<1x640x128xf32, #tpu.memory_space<hbm>> -> memref<640x128xf32, #tpu.memory_space<hbm>>
      %dma_start3A_42 = arith.constant 0 : i32
      %dma_start3A_43 = tpu.memref_slice %arg13[%mul3A_37, %dma_start3A_42] : memref<10240x128xf32, #tpu.memory_space<vmem_shared>> -> memref<640x128xf32, #tpu.memory_space<vmem_shared>>
      tpu.enqueue_dma source(%dma_start3A_43 : memref<640x128xf32, #tpu.memory_space<vmem_shared>>) target(%dma_start3A_41 : memref<640x128xf32, #tpu.memory_space<hbm>>) target_semaphore(%run_scoped3A : memref<!tpu.dma_semaphore, #tpu.memory_space<semaphore_mem>>)
      %dma_wait3A = arith.constant 0 : i32
      %dma_wait3A_44 = tpu.memref_slice %arg6[%arg0, %mul3A_39, %dma_wait3A] : memref<2x10240x128xf32, #tpu.memory_space<hbm>> -> memref<1x640x128xf32, #tpu.memory_space<hbm>>
      %dma_wait3A_45 = tpu.memref_squeeze %dma_wait3A_44 : memref<1x640x128xf32, #tpu.memory_space<hbm>> -> memref<640x128xf32, #tpu.memory_space<hbm>>
      %dma_wait3A_46 = arith.constant 0 : i32
      %dma_wait3A_47 = tpu.memref_slice %arg13[%mul3A_37, %dma_wait3A_46] : memref<10240x128xf32, #tpu.memory_space<vmem_shared>> -> memref<640x128xf32, #tpu.memory_space<vmem_shared>>
      tpu.wait_dma2 semaphore(%run_scoped3A : memref<!tpu.dma_semaphore, #tpu.memory_space<semaphore_mem>>) src(%dma_wait3A_47 : memref<640x128xf32, #tpu.memory_space<vmem_shared>>) dst(%dma_wait3A_45 : memref<640x128xf32, #tpu.memory_space<hbm>>)
      tpu.yield
    }) : () -> ()
    return
  }
}

module attributes {stable_mosaic.version = 14 : i64} {
  func.func @_tc_mid_body(%arg0: i32, %arg1: memref<2x512x128xf32, #tpu.memory_space<vmem>>, %arg2: memref<512x128xf32, #tpu.memory_space<vmem>>, %arg3: memref<2x512x128xf32, #tpu.memory_space<vmem>>, %arg4: memref<128x128xf32, #tpu.memory_space<vmem>>, %arg5: memref<1x128xf32, #tpu.memory_space<vmem>>, %arg6: memref<512x128xf32, #tpu.memory_space<vmem>>) attributes {dimension_semantics = [#tpu.dimension_semantics<arbitrary>], iteration_bounds = array<i64: 20>, scalar_prefetch = 0 : i64, scratch_operands = 0 : i64, tpu.core_type = #tpu.core_type<tc>, window_params = [{transform_indices = @transform_0, window_bounds = array<i64: 2, 512, 128>}, {transform_indices = @transform_1, window_bounds = array<i64: 512, 128>}, {transform_indices = @transform_2, window_bounds = array<i64: 2, 512, 128>}, {pipeline_mode = #tpu.pipeline_mode<synchronous>, transform_indices = @transform_3, window_bounds = array<i64: 128, 128>}, {pipeline_mode = #tpu.pipeline_mode<synchronous>, transform_indices = @transform_4, window_bounds = array<i64: 1, 128>}, {transform_indices = @transform_5, window_bounds = array<i64: 512, 128>}]} {
    %get3A = arith.constant 0 : index
    %get3A_0 = arith.constant 0 : index
    %get3A_1 = arith.constant 0 : index
    %get3A_2 = vector.load %arg3[%get3A, %get3A_0, %get3A_1] : memref<2x512x128xf32, #tpu.memory_space<vmem>>, vector<1x512x1xf32>
    %get3A_3 = vector.shape_cast %get3A_2 : vector<1x512x1xf32> to vector<512x1xf32>
    %get3A_4 = arith.constant 1 : index
    %get3A_5 = arith.constant 0 : index
    %get3A_6 = arith.constant 0 : index
    %get3A_7 = vector.load %arg3[%get3A_4, %get3A_5, %get3A_6] : memref<2x512x128xf32, #tpu.memory_space<vmem>>, vector<1x512x1xf32>
    %get3A_8 = vector.shape_cast %get3A_7 : vector<1x512x1xf32> to vector<512x1xf32>
    %add3A = arith.addf %get3A_3, %get3A_8 : vector<512x1xf32>
    %add3A_9 = arith.constant 1.000000e+00 : f32
    %add3A_10 = vector.broadcast %add3A_9 : f32 to vector<512x1xf32>
    %add3A_11 = arith.addf %add3A, %add3A_10 : vector<512x1xf32>
    %rsqrt3A = math.rsqrt %add3A_11 : vector<512x1xf32>
    %get3A_12 = arith.constant 0 : index
    %get3A_13 = arith.constant 0 : index
    %get3A_14 = arith.constant 0 : index
    %get3A_15 = vector.load %arg1[%get3A_12, %get3A_13, %get3A_14] : memref<2x512x128xf32, #tpu.memory_space<vmem>>, vector<1x512x128xf32>
    %get3A_16 = vector.shape_cast %get3A_15 : vector<1x512x128xf32> to vector<512x128xf32>
    %get3A_17 = arith.constant 1 : index
    %get3A_18 = arith.constant 0 : index
    %get3A_19 = arith.constant 0 : index
    %get3A_20 = vector.load %arg1[%get3A_17, %get3A_18, %get3A_19] : memref<2x512x128xf32, #tpu.memory_space<vmem>>, vector<1x512x128xf32>
    %get3A_21 = vector.shape_cast %get3A_20 : vector<1x512x128xf32> to vector<512x128xf32>
    %add3A_22 = arith.addf %get3A_16, %get3A_21 : vector<512x128xf32>
    %get3A_23 = arith.constant 0 : index
    %get3A_24 = arith.constant 0 : index
    %get3A_25 = vector.load %arg2[%get3A_23, %get3A_24] : memref<512x128xf32, #tpu.memory_space<vmem>>, vector<512x128xf32>
    %add3A_26 = arith.addf %add3A_22, %get3A_25 : vector<512x128xf32>
    %mul3A = vector.broadcast %rsqrt3A : vector<512x1xf32> to vector<512x128xf32>
    %mul3A_27 = arith.mulf %add3A_26, %mul3A : vector<512x128xf32>
    %get3A_28 = arith.constant 0 : index
    %get3A_29 = arith.constant 0 : index
    %get3A_30 = vector.load %arg5[%get3A_28, %get3A_29] : memref<1x128xf32, #tpu.memory_space<vmem>>, vector<1x128xf32>
    %add3A_31 = vector.broadcast %get3A_30 : vector<1x128xf32> to vector<512x128xf32>
    %add3A_32 = arith.addf %mul3A_27, %add3A_31 : vector<512x128xf32>
    %max3A = arith.constant 0.000000e+00 : f32
    %max3A_33 = vector.broadcast %max3A : f32 to vector<512x128xf32>
    %max3A_34 = arith.maximumf %add3A_32, %max3A_33 : vector<512x128xf32>
    %get3A_35 = arith.constant 0 : index
    %get3A_36 = arith.constant 0 : index
    %get3A_37 = vector.load %arg4[%get3A_35, %get3A_36] : memref<128x128xf32, #tpu.memory_space<vmem>>, vector<128x128xf32>
    %dot_general3A = arith.constant dense<0.000000e+00> : vector<512x128xf32>
    %dot_general3A_38 = tpu.matmul %max3A_34, %get3A_37, %dot_general3A {dimension_numbers = #tpu.dot_dimension_numbers<[1], [0], [0], [1], [0, 0, 1, 1], [], []>, transpose_lhs_hint = false} : vector<512x128xf32>, vector<128x128xf32>, vector<512x128xf32> -> vector<512x128xf32>
    %mul3A_39 = vector.broadcast %rsqrt3A : vector<512x1xf32> to vector<512x128xf32>
    %mul3A_40 = arith.mulf %dot_general3A_38, %mul3A_39 : vector<512x128xf32>
    %swap3A = arith.constant 0 : index
    %swap3A_41 = arith.constant 0 : index
    %swap3A_42 = vector.load %arg6[%swap3A, %swap3A_41] : memref<512x128xf32, #tpu.memory_space<vmem>>, vector<512x128xf32>
    tpu.vector_store %arg6[%swap3A, %swap3A_41], %mul3A_40 {strides = array<i32>} : memref<512x128xf32, #tpu.memory_space<vmem>>, vector<512x128xf32>,
    return
  }
  func.func @transform_0(%arg0: i32) -> (i32, i32, i32) {
    %c0_i32 = arith.constant 0 : i32
    %c0_i32_0 = arith.constant 0 : i32
    %c0_i32_1 = arith.constant 0 : i32
    return %c0_i32, %arg0, %c0_i32_0 : i32, i32, i32
  }
  func.func @transform_1(%arg0: i32) -> (i32, i32) {
    %c0_i32 = arith.constant 0 : i32
    %c0_i32_0 = arith.constant 0 : i32
    return %arg0, %c0_i32 : i32, i32
  }
  func.func @transform_2(%arg0: i32) -> (i32, i32, i32) {
    %c0_i32 = arith.constant 0 : i32
    %c0_i32_0 = arith.constant 0 : i32
    %c0_i32_1 = arith.constant 0 : i32
    return %c0_i32, %arg0, %c0_i32_0 : i32, i32, i32
  }
  func.func @transform_3(%arg0: i32) -> (i32, i32) {
    %c0_i32 = arith.constant 0 : i32
    %c0_i32_0 = arith.constant 0 : i32
    %c0_i32_1 = arith.constant 0 : i32
    return %c0_i32, %c0_i32_0 : i32, i32
  }
  func.func @transform_4(%arg0: i32) -> (i32, i32) {
    %c0_i32 = arith.constant 0 : i32
    %c0_i32_0 = arith.constant 0 : i32
    %c0_i32_1 = arith.constant 0 : i32
    return %c0_i32, %c0_i32_0 : i32, i32
  }
  func.func @transform_5(%arg0: i32) -> (i32, i32) {
    %c0_i32 = arith.constant 0 : i32
    %c0_i32_0 = arith.constant 0 : i32
    return %arg0, %c0_i32 : i32, i32
  }
}

module attributes {stable_mosaic.version = 14 : i64} {
  func.func @_tc_h1_body(%arg0: i32, %arg1: memref<512x128xf32, #tpu.memory_space<vmem>>, %arg2: memref<128x128xf32, #tpu.memory_space<vmem>>, %arg3: memref<2x512x128xf32, #tpu.memory_space<vmem>>, %arg4: memref<512x128xf32, #tpu.memory_space<vmem>>) attributes {dimension_semantics = [#tpu.dimension_semantics<arbitrary>], iteration_bounds = array<i64: 20>, scalar_prefetch = 0 : i64, scratch_operands = 0 : i64, tpu.core_type = #tpu.core_type<tc>, window_params = [{transform_indices = @transform_0, window_bounds = array<i64: 512, 128>}, {pipeline_mode = #tpu.pipeline_mode<synchronous>, transform_indices = @transform_1, window_bounds = array<i64: 128, 128>}, {transform_indices = @transform_2, window_bounds = array<i64: 2, 512, 128>}, {transform_indices = @transform_3, window_bounds = array<i64: 512, 128>}]} {
    %get3A = arith.constant 0 : index
    %get3A_0 = arith.constant 0 : index
    %get3A_1 = vector.load %arg1[%get3A, %get3A_0] : memref<512x128xf32, #tpu.memory_space<vmem>>, vector<512x128xf32>
    %get3A_2 = arith.constant 0 : index
    %get3A_3 = arith.constant 0 : index
    %get3A_4 = vector.load %arg2[%get3A_2, %get3A_3] : memref<128x128xf32, #tpu.memory_space<vmem>>, vector<128x128xf32>
    %dot_general3A = arith.constant dense<0.000000e+00> : vector<512x128xf32>
    %dot_general3A_5 = tpu.matmul %get3A_1, %get3A_4, %dot_general3A {dimension_numbers = #tpu.dot_dimension_numbers<[1], [0], [0], [1], [0, 0, 1, 1], [], []>, transpose_lhs_hint = false} : vector<512x128xf32>, vector<128x128xf32>, vector<512x128xf32> -> vector<512x128xf32>
    %get3A_6 = arith.constant 0 : index
    %get3A_7 = arith.constant 0 : index
    %get3A_8 = arith.constant 0 : index
    %get3A_9 = vector.load %arg3[%get3A_6, %get3A_7, %get3A_8] : memref<2x512x128xf32, #tpu.memory_space<vmem>>, vector<1x512x1xf32>
    %get3A_10 = vector.shape_cast %get3A_9 : vector<1x512x1xf32> to vector<512x1xf32>
    %get3A_11 = arith.constant 1 : index
    %get3A_12 = arith.constant 0 : index
    %get3A_13 = arith.constant 0 : index
    %get3A_14 = vector.load %arg3[%get3A_11, %get3A_12, %get3A_13] : memref<2x512x128xf32, #tpu.memory_space<vmem>>, vector<1x512x1xf32>
    %get3A_15 = vector.shape_cast %get3A_14 : vector<1x512x1xf32> to vector<512x1xf32>
    %add3A = arith.addf %get3A_10, %get3A_15 : vector<512x1xf32>
    %add3A_16 = arith.constant 1.000000e+00 : f32
    %add3A_17 = vector.broadcast %add3A_16 : f32 to vector<512x1xf32>
    %add3A_18 = arith.addf %add3A, %add3A_17 : vector<512x1xf32>
    %rsqrt3A = math.rsqrt %add3A_18 : vector<512x1xf32>
    %mul3A = vector.broadcast %rsqrt3A : vector<512x1xf32> to vector<512x128xf32>
    %mul3A_19 = arith.mulf %dot_general3A_5, %mul3A : vector<512x128xf32>
    %swap3A = arith.constant 0 : index
    %swap3A_20 = arith.constant 0 : index
    %swap3A_21 = vector.load %arg4[%swap3A, %swap3A_20] : memref<512x128xf32, #tpu.memory_space<vmem>>, vector<512x128xf32>
    tpu.vector_store %arg4[%swap3A, %swap3A_20], %mul3A_19 {strides = array<i32>} : memref<512x128xf32, #tpu.memory_space<vmem>>, vector<512x128xf32>,
    return
  }
  func.func @transform_0(%arg0: i32) -> (i32, i32) {
    %c0_i32 = arith.constant 0 : i32
    %c0_i32_0 = arith.constant 0 : i32
    return %arg0, %c0_i32 : i32, i32
  }
  func.func @transform_1(%arg0: i32) -> (i32, i32) {
    %c0_i32 = arith.constant 0 : i32
    %c0_i32_0 = arith.constant 0 : i32
    %c0_i32_1 = arith.constant 0 : i32
    return %c0_i32, %c0_i32_0 : i32, i32
  }
  func.func @transform_2(%arg0: i32) -> (i32, i32, i32) {
    %c0_i32 = arith.constant 0 : i32
    %c0_i32_0 = arith.constant 0 : i32
    %c0_i32_1 = arith.constant 0 : i32
    return %c0_i32, %arg0, %c0_i32_0 : i32, i32, i32
  }
  func.func @transform_3(%arg0: i32) -> (i32, i32) {
    %c0_i32 = arith.constant 0 : i32
    %c0_i32_0 = arith.constant 0 : i32
    return %arg0, %c0_i32 : i32, i32
  }
}

module attributes {stable_mosaic.version = 14 : i64} {
  func.func @_tc_out_body(%arg0: i32, %arg1: memref<2x512x128xf32, #tpu.memory_space<vmem>>, %arg2: memref<512x128xf32, #tpu.memory_space<vmem>>, %arg3: memref<2x512x128xf32, #tpu.memory_space<vmem>>, %arg4: memref<1x128xf32, #tpu.memory_space<vmem>>, %arg5: memref<512x128xf32, #tpu.memory_space<vmem>>) attributes {dimension_semantics = [#tpu.dimension_semantics<arbitrary>], iteration_bounds = array<i64: 20>, scalar_prefetch = 0 : i64, scratch_operands = 0 : i64, tpu.core_type = #tpu.core_type<tc>, window_params = [{transform_indices = @transform_0, window_bounds = array<i64: 2, 512, 128>}, {transform_indices = @transform_1, window_bounds = array<i64: 512, 128>}, {transform_indices = @transform_2, window_bounds = array<i64: 2, 512, 128>}, {pipeline_mode = #tpu.pipeline_mode<synchronous>, transform_indices = @transform_3, window_bounds = array<i64: 1, 128>}, {transform_indices = @transform_4, window_bounds = array<i64: 512, 128>}]} {
    %get3A = arith.constant 0 : index
    %get3A_0 = arith.constant 0 : index
    %get3A_1 = arith.constant 0 : index
    %get3A_2 = vector.load %arg3[%get3A, %get3A_0, %get3A_1] : memref<2x512x128xf32, #tpu.memory_space<vmem>>, vector<1x512x1xf32>
    %get3A_3 = vector.shape_cast %get3A_2 : vector<1x512x1xf32> to vector<512x1xf32>
    %get3A_4 = arith.constant 1 : index
    %get3A_5 = arith.constant 0 : index
    %get3A_6 = arith.constant 0 : index
    %get3A_7 = vector.load %arg3[%get3A_4, %get3A_5, %get3A_6] : memref<2x512x128xf32, #tpu.memory_space<vmem>>, vector<1x512x1xf32>
    %get3A_8 = vector.shape_cast %get3A_7 : vector<1x512x1xf32> to vector<512x1xf32>
    %add3A = arith.addf %get3A_3, %get3A_8 : vector<512x1xf32>
    %add3A_9 = arith.constant 1.000000e+00 : f32
    %add3A_10 = vector.broadcast %add3A_9 : f32 to vector<512x1xf32>
    %add3A_11 = arith.addf %add3A, %add3A_10 : vector<512x1xf32>
    %rsqrt3A = math.rsqrt %add3A_11 : vector<512x1xf32>
    %get3A_12 = arith.constant 0 : index
    %get3A_13 = arith.constant 0 : index
    %get3A_14 = arith.constant 0 : index
    %get3A_15 = vector.load %arg1[%get3A_12, %get3A_13, %get3A_14] : memref<2x512x128xf32, #tpu.memory_space<vmem>>, vector<1x512x128xf32>
    %get3A_16 = vector.shape_cast %get3A_15 : vector<1x512x128xf32> to vector<512x128xf32>
    %get3A_17 = arith.constant 1 : index
    %get3A_18 = arith.constant 0 : index
    %get3A_19 = arith.constant 0 : index
    %get3A_20 = vector.load %arg1[%get3A_17, %get3A_18, %get3A_19] : memref<2x512x128xf32, #tpu.memory_space<vmem>>, vector<1x512x128xf32>
    %get3A_21 = vector.shape_cast %get3A_20 : vector<1x512x128xf32> to vector<512x128xf32>
    %add3A_22 = arith.addf %get3A_16, %get3A_21 : vector<512x128xf32>
    %get3A_23 = arith.constant 0 : index
    %get3A_24 = arith.constant 0 : index
    %get3A_25 = vector.load %arg2[%get3A_23, %get3A_24] : memref<512x128xf32, #tpu.memory_space<vmem>>, vector<512x128xf32>
    %add3A_26 = arith.addf %add3A_22, %get3A_25 : vector<512x128xf32>
    %mul3A = vector.broadcast %rsqrt3A : vector<512x1xf32> to vector<512x128xf32>
    %mul3A_27 = arith.mulf %add3A_26, %mul3A : vector<512x128xf32>
    %get3A_28 = arith.constant 0 : index
    %get3A_29 = arith.constant 0 : index
    %get3A_30 = vector.load %arg4[%get3A_28, %get3A_29] : memref<1x128xf32, #tpu.memory_space<vmem>>, vector<1x128xf32>
    %add3A_31 = vector.broadcast %get3A_30 : vector<1x128xf32> to vector<512x128xf32>
    %add3A_32 = arith.addf %mul3A_27, %add3A_31 : vector<512x128xf32>
    %swap3A = arith.constant 0 : index
    %swap3A_33 = arith.constant 0 : index
    %swap3A_34 = vector.load %arg5[%swap3A, %swap3A_33] : memref<512x128xf32, #tpu.memory_space<vmem>>, vector<512x128xf32>
    tpu.vector_store %arg5[%swap3A, %swap3A_33], %add3A_32 {strides = array<i32>} : memref<512x128xf32, #tpu.memory_space<vmem>>, vector<512x128xf32>,
    return
  }
  func.func @transform_0(%arg0: i32) -> (i32, i32, i32) {
    %c0_i32 = arith.constant 0 : i32
    %c0_i32_0 = arith.constant 0 : i32
    %c0_i32_1 = arith.constant 0 : i32
    return %c0_i32, %arg0, %c0_i32_0 : i32, i32, i32
  }
  func.func @transform_1(%arg0: i32) -> (i32, i32) {
    %c0_i32 = arith.constant 0 : i32
    %c0_i32_0 = arith.constant 0 : i32
    return %arg0, %c0_i32 : i32, i32
  }
  func.func @transform_2(%arg0: i32) -> (i32, i32, i32) {
    %c0_i32 = arith.constant 0 : i32
    %c0_i32_0 = arith.constant 0 : i32
    %c0_i32_1 = arith.constant 0 : i32
    return %c0_i32, %arg0, %c0_i32_0 : i32, i32, i32
  }
  func.func @transform_3(%arg0: i32) -> (i32, i32) {
    %c0_i32 = arith.constant 0 : i32
    %c0_i32_0 = arith.constant 0 : i32
    %c0_i32_1 = arith.constant 0 : i32
    return %c0_i32, %c0_i32_0 : i32, i32
  }
  func.func @transform_4(%arg0: i32) -> (i32, i32) {
    %c0_i32 = arith.constant 0 : i32
    %c0_i32_0 = arith.constant 0 : i32
    return %arg0, %c0_i32 : i32, i32
  }
}

</mosaic_0001>

<sc_bundles>
// kernel: kernel.11.cloned.1.call-start
scs
__scs_entry_jumppad:
0x0: {  	(pc) =	sbr.rel $0x88, $3  }
0x1: {  	(tag) =	ssettag $0x0;
	lr =	simm.s32 $0x1  }
0x2: {  	[smem:$0x3F9B] =	sst lr;
	_ =	strace $0xD0000000  }
0x3: {  	_ = 	snop  }
0x4: {  	_ = 	snop  }
0x5: {  	_ = 	snop  }
0x6: {  	_ = 	snop  }
0x7: {  	_ = 	snop  }
__scs_overlays_trampoline_lowered:
0x8: {  	[smem:$0x3FAA] =	sst s0  }
0x9: {  	[smem:$0x3FAB] =	sst s1  }
0xa: {  	[smem:$0x3FAC] =	sst s2  }
0xb: {  	[smem:$0x3FAD] =	sst s3  }
0xc: {  	[smem:$0x3FAE] =	sst s4  }
0xd: {  	[smem:$0x3FAF] =	sst s5  }
0xe: {  	[smem:$0x3FB0] =	sst s6  }
0xf: {  	[smem:$0x3FB1] =	sst s7  }
0x10: {  	[smem:$0x3FB2] =	sst s8  }
0x11: {  	[smem:$0x3FB3] =	sst s9;
	s0 =	simm.s32 @!p0 $0x0  }
0x12: {  	s1 =	sld [smem:$0x3F99];
	s0 =	simm.s32 @p0 $0x1  }
0x13: {  	[smem:$0x3FB4] =	sst s0;
	s0 =	simm.s32 @!p1 $0x0  }
0x14: {  	s2 =	sld [smem:$0x3F98];
	s0 =	simm.s32 @p1 $0x1  }
0x15: {  	[smem:$0x3FB5] =	sst s0;
	s0 =	simm.s32 @!p2 $0x0  }
0x16: {  	s3 =	sld [smem:$0x3FDB];
	s0 =	simm.s32 @p2 $0x1  }
0x17: {  	s4 =	simm.s32 $0x1BF5;
	[smem:$0x3FB7] =	sst s0  }
0x18: {  	s0 =	sld [smem:$0x3F9A];
	_ =	swait.ge [sflag:s4], $0x0  }
0x19: {  	s7 =	sld [smem:$0x3F9B]  }
0x1a: {  	s8 =	sadd.s32 $0xFFFFE003, lr  }
0x1b: {  	s9 =	sadd.s32 $0xFFFFFEF7, lr;
	s5 =	simm.s32 $0xFFFFFFFF;
	p2 =	slt.u32 s8, $0xFFFFF086  }
0x1c: {  	p1 =	slt.u32 s9, $0xF7A;
	s5 =	simm.s32 @!p2 $0x0  }
0x1d: {  	s5 =	simm.s32 @p1 $0x1;
	p0 =	seq.s32 s7, s2  }
0x1e: {  	s7 =	smul.u32 @!p0 $0xF7A, s2;
	p2 =	seq.s32 @!p0 s5, $0x0  }
0x1f: {  	s9 =	smul.u32 $0xF7A, s1;
	s8 =	simm.s32 @!p0 $0x1BF5;
	p2 =	por !p2, p0  }
0x20: {  	[sflag:s8] =	ssyncset.s32 @!p0 $0xFFFFF086;
	s6 =	sadd.s32 @!p0 s3, s7;
	s7 =	simm.s32 @!p0 $0x108  }
0x21: {  	s3 =	sadd.s32 s3, s9;
	s6 =	sadd.s32 @!p0 $0x88, s6;
	s7 =	simm.s32 @p2 $0x1082  }
0x22: {  	[simem:s7], [sflag:s8] =	dma.local @!p0 [hbm:s6], $0xF7A  }
0x23: {  	s9 =	sor.u32 $0xD0000000, s2;
	s6 =	simm.s32 $0x108;
	_ =	swait.ge @!p0 [sflag:s8], $0x0  }
0x24: {  	s3 =	sadd.s32 $0x88, s3;
	s6 =	simm.s32 @!p1 $0x1082;
	[sflag:s4] =	ssyncset.s32 $0xFFFFF086  }
0x25: {  	[simem:s6], [sflag:s4] =	dma.local [hbm:s3], $0xF7A  }
0x26: {  	[smem:$0x3F9B] =	sst s1;
	(tag) =	ssettag s2;
	_ =	strace s9  }
0x27: {  	s1 =	sld [smem:$0x3FAB]  }
0x28: {  	s2 =	sld [smem:$0x3FAC]  }
0x29: {  	s4 =	sld [smem:$0x3FAE]  }
0x2a: {  	p0 =	seq.s32 s5, $0x0;
	s5 =	sld [smem:$0x3FAF]  }
0x2b: {  	s6 =	sld [smem:$0x3FB0]  }
0x2c: {  	s7 =	sld [smem:$0x3FB1]  }
0x2d: {  	s3 =	simm.s32 $0x108;
	s8 =	sld [smem:$0x3FB2]  }
0x2e: {  	s3 =	simm.s32 @!p0 $0x1082;
	s9 =	sld [smem:$0x3FB3]  }
0x2f: {  	lr =	sadd.s32 s0, s3;
	s0 =	sld [smem:$0x3FAA]  }
0x30: {  	s3 =	sld [smem:$0x3FAD]  }
0x31: {  	[smem:$0x3FB6] =	sst s10  }
0x32: {  	s10 =	sld [smem:$0x3FB4];
	_ =	sdelay $0x3  }
0x33: {  	p0 =	seq.s32 s10, $0x1;
	s10 =	sld [smem:$0x3FB6];
	_ =	sdelay $0x3  }
0x34: {  	[smem:$0x3FB6] =	sst s10  }
0x35: {  	s10 =	sld [smem:$0x3FB5];
	_ =	sdelay $0x3  }
0x36: {  	p1 =	seq.s32 s10, $0x1;
	s10 =	sld [smem:$0x3FB6];
	_ =	sdelay $0x3  }
0x37: {  	[smem:$0x3FB6] =	sst s10  }
0x38: {  	s10 =	sld [smem:$0x3FB7]  }
0x39: {  	_ = 	snop;
	(pc) =	sbr.ind lr, $3  }
0x3a: {  	_ = 	snop  }
0x3b: {  	_ = 	snop  }
0x3c: {  	p2 =	seq.s32 s10, $0x1;
	s10 =	sld [smem:$0x3FB6]  }
0x3d: {  	_ =	shalt  }
0x3e: {  	_ =	shalt  }
0x3f: {  	_ =	shalt  }
0x40: {  	_ =	shalt  }
0x41: {  	_ =	shalt  }
0x42: {  	_ =	shalt  }
0x43: {  	_ =	shalt  }
0x44: {  	_ =	shalt  }
0x45: {  	_ =	shalt  }
0x46: {  	_ =	shalt  }
0x47: {  	_ =	shalt  }
0x48: {  	_ =	shalt  }
0x49: {  	_ =	shalt  }
0x4a: {  	_ =	shalt  }
0x4b: {  	_ =	shalt  }
0x4c: {  	_ =	shalt  }
0x4d: {  	_ =	shalt  }
0x4e: {  	_ =	shalt  }
0x4f: {  	_ =	shalt  }
0x50: {  	_ =	shalt  }
0x51: {  	_ =	shalt  }
0x52: {  	_ =	shalt  }
0x53: {  	_ =	shalt  }
0x54: {  	_ =	shalt  }
0x55: {  	_ =	shalt  }
0x56: {  	_ =	shalt  }
0x57: {  	_ =	shalt  }
0x58: {  	_ =	shalt  }
0x59: {  	_ =	shalt  }
0x5a: {  	_ =	shalt  }
0x5b: {  	_ =	shalt  }
0x5c: {  	_ =	shalt  }
0x5d: {  	_ =	shalt  }
0x5e: {  	_ =	shalt  }
0x5f: {  	_ =	shalt  }
0x60: {  	_ =	shalt  }
0x61: {  	_ =	shalt  }
0x62: {  	_ =	shalt  }
0x63: {  	_ =	shalt  }
0x64: {  	_ =	shalt  }
0x65: {  	_ =	shalt  }
0x66: {  	_ =	shalt  }
0x67: {  	_ =	shalt  }
0x68: {  	_ =	shalt  }
0x69: {  	_ =	shalt  }
0x6a: {  	_ =	shalt  }
0x6b: {  	_ =	shalt  }
0x6c: {  	_ =	shalt  }
0x6d: {  	_ =	shalt  }
0x6e: {  	_ =	shalt  }
0x6f: {  	_ =	shalt  }
0x70: {  	_ =	shalt  }
0x71: {  	_ =	shalt  }
0x72: {  	_ =	shalt  }
0x73: {  	_ =	shalt  }
0x74: {  	_ =	shalt  }
0x75: {  	_ =	shalt  }
0x76: {  	_ =	shalt  }
0x77: {  	_ =	shalt  }
0x78: {  	_ =	shalt  }
0x79: {  	_ =	shalt  }
0x7a: {  	_ =	shalt  }
0x7b: {  	_ =	shalt  }
0x7c: {  	_ =	shalt  }
0x7d: {  	_ =	shalt  }
0x7e: {  	_ =	shalt  }
0x7f: {  	_ =	shalt  }
0x80: {  	_ =	shalt  }
0x81: {  	_ =	shalt  }
0x82: {  	_ =	shalt  }
0x83: {  	_ =	shalt  }
0x84: {  	_ =	shalt  }
0x85: {  	_ =	shalt  }
0x86: {  	_ =	shalt  }
0x87: {  	_ =	shalt  }
.Lfunc_end0:
.L_simem_size_0:
called_computation.1_lowered:
.L_overlay_start_0:
0x88: {  	s2 =	sld [smem:$0x3FD9]  }
0x89: {  	s3 =	sld [smem:$0x3FFE];
	_ =	sdelay $0x1  }
0x8a: {  	s1 =	srdreg.scid  }
0x8b: {  	s0 =	sand.u32 $0x1, s1  }
0x8c: {  	s17 =	sshll.u32 s0, $0xA;
	s2 =	sadd.s32 s3, s2  }
0x8d: {  	s2 =	sadd.s32 s2, s17  }
0x8e: {  	[smem:$0x3FC2] =	sst s2  }
0x8f: {  	_ = 	snop  }
0x90: {  	s2 =	sld [smem:$0x3FD0];
	(tm) =	ssettm $0x1  }
0x91: {  	s18 =	sld [smem:$0x3FFB];
	_ =	sdelay $0x3  }
0x92: {  	_ =	strace s18  }
0x93: {  	s3 =	sld [smem:$0x3FFC];
	_ =	sdelay $0x3  }
0x94: {  	_ =	strace s3  }
0x95: {  	s3 =	sld [smem:$0x3FFD];
	_ =	sdelay $0x3  }
0x96: {  	_ =	strace s3  }
0x97: {  	_ =	strace $0x8FFFFFFF  }
0x98: {  	s19 =	sld [smem:$0x3FDB];
	_ =	sdelay $0x1  }
0x99: {  	s4 =	simm.s32 $_scs_section_size  }
0x9a: {  	s5 =	simm.s32 $_size__tile_overlayer_lowered;
	s6 =	simm.s32 $_tile_overlayer_lowered  }
0x9b: {  	s22 =	simm.s32 $0x1BFF;
	s21 =	sshll.u32 s6, $0x1;
	s3 =	sadd.s32 s4, s19  }
0x9c: {  	s7 =	simm.s32 $0x0;
	s20 =	sshll.u32 s5, $0x1;
	s5 =	sadd.s32 s21, s3  }
0x9d: {  	[timem:s7], [sflag:s22] =	dma.local [hbm:s5], s20  }
0x9e: {  	_ =	swait.ge [sflag:s22], s20  }
0x9f: {  	s4 =	ssub.s32 $0x0, s20;
	[sflag:s22] =	ssyncset.done $0x0  }
0xa0: {  	[sflag:s22] =	ssyncadd.s32 s4;
	_ =	sdelay $0x1  }
0xa1: {  	s23 =	simm.s32 $0x1B8B  }
0xa2: {  	_ =	swait.ge [sflag:s23], $0x1  }
0xa3: {  	[sflag:s23] =	ssyncset.done $0x0  }
0xa4: {  	s25 =	simm.s32 $0x1B8E;
	s24 =	sld [smem:$0x3FFE];
	[sflag:s23] =	ssyncadd.s32 $0xFFFFFFFF  }
0xa5: {  	s26 =	simm.s32 $execute0_lowered;
	[smem:$0x3FD2] =	sst s25  }
0xa6: {  	s5 =	sshll.u32 s26, $0x1;
	_ =	strace $0x80000049;
	[dreg:$0x1] =	wrdreg $0xFFFFFFFF  }
0xa7: {  	s28 =	simm.s32 $_size_execute0_lowered;
	s3 =	sadd.s32 s3, s5;
	[dreg:$0x0] =	wrdreg $0x0  }
0xa8: {  	s5 =	sshll.u32 s28, $0x1;
	[dreg:$0x2] =	wrdreg s3  }
0xa9: {  	[dreg:$0x3] =	wrdreg s5  }
0xaa: {  	[dreg:$0x4] =	wrdreg $0xC0  }
0xab: {  	_ =	task [dreg:s7], $0x5FFFF  }
0xac: {  	[dreg:$0x1] =	wrdreg $0xFFFFFFFF  }
0xad: {  	[dreg:$0x0] =	wrdreg $0x60  }
0xae: {  	[dreg:$0x2] =	wrdreg s24  }
0xaf: {  	[dreg:$0x3] =	wrdreg s2  }
0xb0: {  	[dreg:$0x4] =	wrdreg $0x82000  }
0xb1: {  	[dreg:$0x5] =	wrdreg $0x9  }
0xb2: {  	_ =	task.clear_ibuf [dreg:s7], $0x6FFFF;
	_ =	strace $0x90000049  }
0xb3: {  	s29 =	simm.s32 $0x9;
	_ =	strace $0x8000004B  }
0xb4: {  	_ =	swait.ge [sflag:s29], $0x1  }
0xb5: {  	[sflag:s29] =	ssyncadd.s32 $0xFFFFFFFF  }
0xb6: {  	_ =	strace $0x9000004B  }
0xb7: {  	_ =	sfence  }
0xb8: {  	s30 =	sld [smem:$0x0];
	_ =	sdelay $0x2  }
0xb9: {  	s31 =	sshll.u32 s1, $0xD;
	s1 =	sshrl.u32 s1, $0x2  }
0xba: {  	s3 =	sand.u32 $0x4000, s31;
	s1 =	sadd.s32 s1, s30  }
0xbb: {  	s0 =	sor.u32 s3, s0;
	s1 =	sshll.u32 s1, $0x11  }
0xbc: {  	s0 =	sor.u32 s1, s0  }
0xbd: {  	s0 =	sadd.s32 $0x8F2B, s0  }
0xbe: {  	[sflag:s0] =	ssyncadd.remote.s32 $0x1  }
0xbf: {  	_ =	sfence.sel $0xFFFF  }
0xc0: {  	[dreg:$0x0] =	wrdreg $0xFFFFFFFF;
	(pc) =	sbr.abs _section_cstart, $3  }
0xc1: {  	[dreg:$0x1] =	wrdreg $0xFFFFFFFF  }
0xc2: {  	_ =	task.clear_ibuf [dreg:s7], $0x2FFFF;
	_ =	strace $0x9FFFFFFF  }
0xc3: {  	(tm) =	ssettm $0x7FFFFFFF  }
tec
execute0_lowered:
.L_overlay_start_1:
0x0: {  	(tag) =	ssettag $0x1  }
0x1: {  	s5 =	rddreg [dreg:$0x0]  }
0x2: {  	s10 =	rddreg [dreg:$0x1]  }
0x3: {  	s0 =	stileid.u32;
	s1 =	srdreg.scid  }
0x4: {  	s2 =	rddreg [dreg:$0x2];
	s16 =	simm.s32 $0x3;
	s17 =	simm.s32 $0x80  }
0x5: {  	s18 =	simm.s32 $0x200;
	s19 =	simm.s32 $0x100;
	s3 =	smul.u32 $0x6, s0  }
0x6: {  	s20 =	simm.s32 $0x180;
	s21 =	simm.s32 $0x4200;
	s4 =	smul.u32 $0x9A, s0  }
0x7: {  	s22 =	simm.s32 $0x1;
	s23 =	simm.s32 $0x2;
	s8 =	smul.u32 $0x14000, s0  }
0x8: {  	s24 =	simm.s32 $0x0;
	s6 =	sand.u32 $0x1, s1;
	s28 =	smul.u32 $0x50000, s0  }
0x9: {  	s31 =	sshll.u32 s0, $0x6;
	p0 =	seq.s32 s6, $0x0;
	s26 =	smul.u32 $0x140000, s6  }
0xa: {  	s6 =	ssub.s32 $0x2, s6;
	s7 =	sadd.s32 $0x9A0, s3;
	s3 =	simm.s32 $0x0  }
0xb: {  	s9 =	sshrl.u32 s8, $0x3;
	s29 =	sshrl.u32 s6, $0x1;
	s30 =	sshrl.u32 s28, $0x2  }
0xc: {  	s7 =	smov.u32 @p0 s4;
	[smem:$0x7FF] =	sst s3;
	s4 =	sadd.s32 $0x84A00, s5  }
0xd: {  	s9 =	sadd.s32 s9, s5;
	s13 =	ssub.s32 s6, s29;
	s15 =	sadd.s32 s30, s2  }
0xe: {  	s11 =	sshll.u32 s7, $0x4;
	_ =	strace $0x8000004A;
	s7 =	sadd.s32 s8, s26  }
0xf: {  	s6 =	sadd.s32 $0x2A00, s9;
	s15 =	sshrl.u32 s15, $0x3;
	s7 =	sshrl.u32 s7, $0x3  }
0x10: {  	s14 =	sadd.s32 s11, s5;
	s10 =	sadd.s32 s10, s11;
	s12 =	sadd.s32 s7, s5  }
0x11: {  	s5 =	simm.s32 $0x4D;
	s7 =	sor.u32 $0x1C03, s31;
	s9 =	sadd.s32 $0x7AA00, s14  }
0x12: {  	s14 =	sadd.s32 $0x7AA20, s14;
	s5 =	simm.s32 @!p0 $0x3;
	s11 =	sadd.s32 $0xACA00, s12  }
0x13: {  	s12 =	smax.u32 s13, $0x1;
	s13 =	sadd.s32 $0x20, s10;
	s8 =	sadd.s32 $0xFFFFFFFF, s5  }
.LBB2_1:
0x14: {  	[spmem:s15], [sflag:s7] =	dma.local [hbm:s6], $0x2800  }
0x15: {  	_ =	swait.ge [sflag:s16], $0x2800  }
0x16: {  	[sflag:s16] =	ssyncset.done $0x0  }
0x17: {  	[sflag:s16] =	ssyncadd.s32 $0xFFFFD800  }
0x18: {  	[bflag:$0x0] =	sbarrier.arrive $0xFFFF  }
0x19: {  	[tilespmem:s3], [sflag:$0x3] =	stream.linear.gather [hbm4b:s9+s3], $0x80, $0x38;
	[tilespmem:$0x1C200] =	vst v63  }
0x1a: {  	_ =	swait.ge [sflag:s16], $0x80  }
0x1b: {  	[sflag:s16] =	ssyncset.done $0x0  }
0x1c: {  	p1 =	sne.s32 s5, $0x1;
	[sflag:s16] =	ssyncadd.s32 $0xFFFFFF80  }
0x1d: {  	[tilespmem:s17], [sflag:$0x3] =	stream.linear.gather [hbm4b:s10+s3], $0x80, $0x38;
	[tilespmem:$0x1C200] =	vst v63  }
.Ltmp0:
0x1e: {  	_ = 	snop;
	(pc) =	sbr.rel @!p1 .LBB2_6-.Ltmp0, $4  }
0x1f: {  	s25 =	simm.s32 $0x1;
	_ =	swait.ge [sflag:s16], $0x80  }
0x20: {  	p0 =	por $0x0, $0x0;
	s28 =	smov.u32 s14;
	[sflag:s16] =	ssyncset.done $0x0  }
0x21: {  	s26 =	smov.u32 s13;
	s29 =	simm.s32 $0x0;
	[sflag:s16] =	ssyncadd.s32 $0xFFFFFF80  }
0x22: {  	[tilespmem:s18], [sflag:$0x1] =	stream.indirect.gather [hbm4b:s4+s17], $0x80, s3, s17, $0xb8;
	[tilespmem:$0x1C200] =	vst v63  }
0x23: {  	s26 =	sadd.s32 $0xFFFFFFF0, s14  }
0x24: {  	[tilespmem:s19], [sflag:$0x3] =	stream.linear.gather [hbm4b:s26+s3], $0x80, $0x38;
	[tilespmem:$0x1C200] =	vst v63  }
0x25: {  	_ =	swait.ge [sflag:s16], $0x80  }
0x26: {  	[sflag:s16] =	ssyncset.done $0x0  }
0x27: {  	s31 =	sadd.s32 $0xFFFFFFF0, s13;
	[sflag:s16] =	ssyncadd.s32 $0xFFFFFF80  }
0x28: {  	[tilespmem:s20], [sflag:$0x3] =	stream.linear.gather [hbm4b:s31+s3], $0x80, $0x38;
	[tilespmem:$0x1C200] =	vst v63  }
0x29: {  	_ =	swait.ge [sflag:s16], $0x80  }
0x2a: {  	[sflag:s16] =	ssyncset.done $0x0  }
0x2b: {  	[sflag:s16] =	ssyncadd.s32 $0xFFFFFF80  }
0x2c: {  	[tilespmem:s21], [sflag:$0x2] =	stream.indirect.gather [hbm4b:s4+s17], $0x80, s19, s17, $0xb8;
	[tilespmem:$0x1C200] =	vst v63  }
0x2d: {  	_ =	swait.ge [sflag:s22], $0x4000  }
0x2e: {  	[sflag:s22] =	ssyncset.done $0x0  }
0x2f: {  	[sflag:s22] =	ssyncadd.s32 $0xFFFFC000  }
0x30: {  	[spmem:s2] =	stream.indirect.scatter.add.f32 [tilespmem:s18], [sflag:$0x3], $0x80, s17, s17, $0xb8;
	[tilespmem:$0x1C200] =	vst v63  }
0x31: {  	_ =	swait.ge [sflag:s16], $0x4000  }
0x32: {  	p0 =	sle.u32 s8, $0x0;
	[sflag:s16] =	ssyncset.done $0x0  }
0x33: {  	s26 =	simm.s32 @!p0 $0x0;
	s28 =	simm.s32 @!p0 $0x3;
	[sflag:s16] =	ssyncadd.s32 $0xFFFFC000  }
0x34: {  	[tilespmem:s26], [sflag:$0x3] =	stream.linear.gather @!p0 [hbm4b:s14+s26], $0x80, $0x38;
	[tilespmem:$0x1C200] =	vst v63  }
0x35: {  	_ =	swait.ge @!p0 [sflag:s28], $0x80  }
0x36: {  	[sflag:s28] =	ssyncset.done @!p0 $0x0  }
0x37: {  	s29 =	simm.s32 @!p0 $0x80;
	[sflag:s28] =	ssyncadd.s32 @!p0 $0xFFFFFF80  }
0x38: {  	[tilespmem:s29], [sflag:$0x3] =	stream.linear.gather @!p0 [hbm4b:s13+s26], $0x80, $0x38;
	[tilespmem:$0x1C200] =	vst v63  }
0x39: {  	_ =	swait.ge @!p0 [sflag:s28], $0x80  }
0x3a: {  	[sflag:s28] =	ssyncset.done @!p0 $0x0  }
0x3b: {  	[sflag:s28] =	ssyncadd.s32 @!p0 $0xFFFFFF80;
	s28 =	simm.s32 @!p0 $0x200  }
0x3c: {  	[tilespmem:s28], [sflag:$0x1] =	stream.indirect.gather @!p0 [hbm4b:s4+s29], $0x80, s26, s29, $0xb8;
	[tilespmem:$0x1C200] =	vst v63  }
0x3d: {  	p1 =	sne.s32 s5, $0x2;
	_ =	swait.ge [sflag:s23], $0x4000  }
.Ltmp1:
0x3e: {  	[sflag:s23] =	ssyncset.done $0x0;
	(pc) =	sbr.rel @!p1 .LBB2_3-.Ltmp1, $4  }
0x3f: {  	[sflag:s23] =	ssyncadd.s32 $0xFFFFC000  }
0x40: {  	[spmem:s2] =	stream.indirect.scatter.add.f32 [tilespmem:s21], [sflag:$0x3], $0x80, s20, s17, $0xb8;
	[tilespmem:$0x1C200] =	vst v63  }
0x41: {  	s29 =	simm.s32 $0x2;
	s26 =	sadd.s32 $0x20, s13;
	_ =	swait.ge [sflag:s16], $0x4000  }
0x42: {  	s28 =	sadd.s32 $0x20, s14;
	p0 =	por $0x1, $0x1;
	[sflag:s16] =	ssyncset.done $0x0  }
.LBB2_4:
0x43: {  	s30 =	sadd.s32 $0xFFFFFFF0, s28  }
0x44: {  	[sflag:s16] =	ssyncadd.s32 $0xFFFFC000;
	s31 =	smov.u32 s29;
	s29 =	sadd.s32 $0x1, s29  }
0x45: {  	[tilespmem:s19], [sflag:$0x3] =	stream.linear.gather [hbm4b:s30+s3], $0x80, $0x38;
	[tilespmem:$0x1C200] =	vst v63  }
0x46: {  	p1 =	sne.s32 s5, s29;
	_ =	swait.ge [sflag:s16], $0x80  }
0x47: {  	[sflag:s16] =	ssyncset.done $0x0  }
0x48: {  	s30 =	sadd.s32 $0xFFFFFFF0, s26;
	[sflag:s16] =	ssyncadd.s32 $0xFFFFFF80  }
0x49: {  	[tilespmem:s20], [sflag:$0x3] =	stream.linear.gather [hbm4b:s30+s3], $0x80, $0x38;
	[tilespmem:$0x1C200] =	vst v63  }
0x4a: {  	_ =	swait.ge [sflag:s16], $0x80  }
0x4b: {  	[sflag:s16] =	ssyncset.done $0x0  }
0x4c: {  	[sflag:s16] =	ssyncadd.s32 $0xFFFFFF80  }
0x4d: {  	[tilespmem:s21], [sflag:$0x2] =	stream.indirect.gather [hbm4b:s4+s17], $0x80, s19, s17, $0xb8;
	[tilespmem:$0x1C200] =	vst v63  }
0x4e: {  	_ =	swait.ge [sflag:s22], $0x4000  }
0x4f: {  	[sflag:s22] =	ssyncset.done $0x0  }
0x50: {  	[sflag:s22] =	ssyncadd.s32 $0xFFFFC000  }
0x51: {  	[spmem:s2] =	stream.indirect.scatter.add.f32 [tilespmem:s18], [sflag:$0x3], $0x80, s17, s17, $0xb8;
	[tilespmem:$0x1C200] =	vst v63  }
0x52: {  	_ =	swait.ge [sflag:s16], $0x4000  }
0x53: {  	p2 =	sge.u32 s25, s8;
	s25 =	smov.u32 s31;
	[sflag:s16] =	ssyncset.done $0x0  }
0x54: {  	s31 =	simm.s32 @!p2 $0x3;
	s30 =	simm.s32 @!p2 $0x0;
	[sflag:s16] =	ssyncadd.s32 $0xFFFFC000  }
0x55: {  	[tilespmem:s30], [sflag:$0x3] =	stream.linear.gather @!p2 [hbm4b:s28+s30], $0x80, $0x38;
	[tilespmem:$0x1C200] =	vst v63  }
0x56: {  	_ =	swait.ge @!p2 [sflag:s31], $0x80  }
0x57: {  	[sflag:s31] =	ssyncset.done @!p2 $0x0  }
0x58: {  	s1 =	simm.s32 @!p2 $0x80;
	[sflag:s31] =	ssyncadd.s32 @!p2 $0xFFFFFF80  }
0x59: {  	[tilespmem:s1], [sflag:$0x3] =	stream.linear.gather @!p2 [hbm4b:s26+s30], $0x80, $0x38;
	[tilespmem:$0x1C200] =	vst v63  }
0x5a: {  	_ =	swait.ge @!p2 [sflag:s31], $0x80  }
0x5b: {  	[sflag:s31] =	ssyncset.done @!p2 $0x0  }
0x5c: {  	[sflag:s31] =	ssyncadd.s32 @!p2 $0xFFFFFF80;
	s31 =	simm.s32 @!p2 $0x200  }
0x5d: {  	[tilespmem:s31], [sflag:$0x1] =	stream.indirect.gather @!p2 [hbm4b:s4+s1], $0x80, s30, s1, $0xb8;
	[tilespmem:$0x1C200] =	vst v63  }
0x5e: {  	_ =	swait.ge [sflag:s23], $0x4000  }
.Ltmp2:
0x5f: {  	[sflag:s23] =	ssyncset.done $0x0;
	(pc) =	sbr.rel @p1 .LBB2_4-.Ltmp2, $4  }
0x60: {  	[sflag:s23] =	ssyncadd.s32 $0xFFFFC000  }
0x61: {  	[spmem:s2] =	stream.indirect.scatter.add.f32 [tilespmem:s21], [sflag:$0x3], $0x80, s20, s17, $0xb8;
	[tilespmem:$0x1C200] =	vst v63  }
0x62: {  	_ =	swait.ge [sflag:s16], $0x4000  }
0x63: {  	s28 =	sadd.s32 $0x20, s28;
	s26 =	sadd.s32 $0x20, s26;
	[sflag:s16] =	ssyncset.done $0x0  }
0x64: {  	s29 =	smov.u32 s25  }
.LBB2_6:
0x65: {  	s1 =	sadd.s32 $0xFFFFFFF0, s28;
	[sflag:s16] =	ssyncadd.s32 @p0 $0xFFFFC000  }
0x66: {  	[tilespmem:s19], [sflag:$0x3] =	stream.linear.gather [hbm4b:s1+s3], $0x80, $0x38;
	[tilespmem:$0x1C200] =	vst v63  }
0x67: {  	_ =	swait.ge [sflag:s16], $0x80  }
0x68: {  	[sflag:s16] =	ssyncset.done $0x0  }
0x69: {  	s31 =	sadd.s32 $0xFFFFFFF0, s26;
	[sflag:s16] =	ssyncadd.s32 $0xFFFFFF80  }
0x6a: {  	[tilespmem:s20], [sflag:$0x3] =	stream.linear.gather [hbm4b:s31+s3], $0x80, $0x38;
	[tilespmem:$0x1C200] =	vst v63  }
0x6b: {  	_ =	swait.ge [sflag:s16], $0x80  }
0x6c: {  	[sflag:s16] =	ssyncset.done $0x0  }
0x6d: {  	[sflag:s16] =	ssyncadd.s32 $0xFFFFFF80  }
0x6e: {  	[tilespmem:s21], [sflag:$0x2] =	stream.indirect.gather [hbm4b:s4+s17], $0x80, s19, s17, $0xb8;
	[tilespmem:$0x1C200] =	vst v63  }
0x6f: {  	_ =	swait.ge [sflag:s22], $0x4000  }
0x70: {  	[sflag:s22] =	ssyncset.done $0x0  }
0x71: {  	[sflag:s22] =	ssyncadd.s32 $0xFFFFC000  }
0x72: {  	[spmem:s2] =	stream.indirect.scatter.add.f32 [tilespmem:s18], [sflag:$0x3], $0x80, s17, s17, $0xb8;
	[tilespmem:$0x1C200] =	vst v63  }
0x73: {  	_ =	swait.ge [sflag:s16], $0x4000  }
0x74: {  	p0 =	sge.u32 s29, s8;
	[sflag:s16] =	ssyncset.done $0x0  }
0x75: {  	s1 =	simm.s32 @!p0 $0x0;
	s25 =	simm.s32 @!p0 $0x3;
	[sflag:s16] =	ssyncadd.s32 $0xFFFFC000  }
0x76: {  	[tilespmem:s1], [sflag:$0x3] =	stream.linear.gather @!p0 [hbm4b:s28+s1], $0x80, $0x38;
	[tilespmem:$0x1C200] =	vst v63  }
0x77: {  	_ =	swait.ge @!p0 [sflag:s25], $0x80  }
0x78: {  	[sflag:s25] =	ssyncset.done @!p0 $0x0  }
0x79: {  	s28 =	simm.s32 @!p0 $0x80;
	[sflag:s25] =	ssyncadd.s32 @!p0 $0xFFFFFF80  }
0x7a: {  	[tilespmem:s28], [sflag:$0x3] =	stream.linear.gather @!p0 [hbm4b:s26+s1], $0x80, $0x38;
	[tilespmem:$0x1C200] =	vst v63  }
0x7b: {  	_ =	swait.ge @!p0 [sflag:s25], $0x80  }
0x7c: {  	[sflag:s25] =	ssyncset.done @!p0 $0x0  }
0x7d: {  	[sflag:s25] =	ssyncadd.s32 @!p0 $0xFFFFFF80;
	s25 =	simm.s32 @!p0 $0x200  }
0x7e: {  	[tilespmem:s25], [sflag:$0x1] =	stream.indirect.gather @!p0 [hbm4b:s4+s28], $0x80, s1, s28, $0xb8;
	[tilespmem:$0x1C200] =	vst v63  }
0x7f: {  	_ =	swait.ge [sflag:s23], $0x4000  }
0x80: {  	[sflag:s23] =	ssyncset.done $0x0  }
0x81: {  	[sflag:s23] =	ssyncadd.s32 $0xFFFFC000  }
0x82: {  	[spmem:s2] =	stream.indirect.scatter.add.f32 [tilespmem:s21], [sflag:$0x3], $0x80, s20, s17, $0xb8;
	[tilespmem:$0x1C200] =	vst v63  }
0x83: {  	_ =	swait.ge [sflag:s16], $0x4000  }
0x84: {  	[sflag:s16] =	ssyncset.done $0x0  }
0x85: {  	s24 =	sadd.s32 $0x1, s24;
	[sflag:s16] =	ssyncadd.s32 $0xFFFFC000  }
0x86: {  	p0 =	sne.s32 s24, s12;
	[bflag:$0x0] =	sbarrier.arrive $0xFFFF  }
0x87: {  	[hbm:s11], [sflag:s7] =	dma.local [spmem:s15], $0x2800  }
.Ltmp3:
0x88: {  	_ = 	snop;
	(pc) =	sbr.rel @p0 .LBB2_1-.Ltmp3, $4  }
.Ltmp4:
0x89: {  	_ = 	snop;
	(pc) =	sbr.rel @!p0 .LBB2_7-.Ltmp4, $4  }
0x8a: {  	_ =	swait.ge [sflag:s16], $0x2800  }
0x8b: {  	[sflag:s16] =	ssyncset.done $0x0  }
0x8c: {  	[sflag:s16] =	ssyncadd.s32 $0xFFFFD800  }
0x8d: {  	_ = 	snop  }
.LBB2_3:
.Ltmp5:
0x8e: {  	(pc) =	sbr.rel .LBB2_6-.Ltmp5, $2  }
0x8f: {  	_ =	sdelay $0x2  }
0x90: {  	s29 =	simm.s32 $0x1  }
.LBB2_7:
0x91: {  	_ =	sfence.sel $0x180000  }
0x92: {  	[bflag:$0x0] =	sbarrier.arrive $0xFFFF  }
0x93: {  	_ =	strace $0x9000004A  }
0x94: {  	[bflag:$0x2] =	sbarrier.arrive $0xFFFF  }
0x95: {  	p0 =	sne.s32 s0, $0x0;
	s0 =	rddreg [dreg:$0x3]  }
0x96: {  	s0 =	sadd.s32 @!p0 $0x100000, s0  }
0x97: {  	[sflag:s0] =	ssyncadd.tile.s32 @!p0 $0x1;
	_ =	shalt  }
.Lfunc_end2:
_tile_overlayer_lowered:
.L_overlay_start_2:
0x98: {  	(tag) =	ssettag $0x2  }
0x99: {  	s0 =	rddreg [dreg:$0x0];
	s2 =	stileid.u32  }
0x9a: {  	s1 =	rddreg [dreg:$0x1];
	p0 =	sne.s32 s2, $0x0  }
0x9b: {  	s3 =	rddreg [dreg:$0x2];
	[bflag:$0x3] =	sbarrier.arrive $0xFFFF;
	s2 =	simm.s32 @!p0 $0x1C03  }
0x9c: {  	[timem:s3], [sflag:s2] =	dma.local @!p0 [hbm:s0], s1  }
0x9d: {  	s0 =	simm.s32 @!p0 $0x3  }
0x9e: {  	_ =	swait.ge @!p0 [sflag:s0], s1  }
0x9f: {  	s1 =	ssub.s32 @!p0 $0x0, s1;
	[sflag:s0] =	ssyncset.done @!p0 $0x0  }
0xa0: {  	[sflag:s0] =	ssyncadd.s32 @!p0 s1  }
0xa1: {  	[bflag:$0x3] =	sbarrier.arrive $0xFFFF  }
0xa2: {  	_ =	shalt  }

// kernel: kernel.14.cloned.1.call-start
scs
__scs_entry_jumppad:
0x0: {  	(pc) =	sbr.rel $0x88, $3  }
0x1: {  	(tag) =	ssettag $0x0;
	lr =	simm.s32 $0x1  }
0x2: {  	[smem:$0x3F9B] =	sst lr;
	_ =	strace $0xD0000000  }
0x3: {  	_ = 	snop  }
0x4: {  	_ = 	snop  }
0x5: {  	_ = 	snop  }
0x6: {  	_ = 	snop  }
0x7: {  	_ = 	snop  }
__scs_overlays_trampoline_lowered:
0x8: {  	[smem:$0x3FAA] =	sst s0  }
0x9: {  	[smem:$0x3FAB] =	sst s1  }
0xa: {  	[smem:$0x3FAC] =	sst s2  }
0xb: {  	[smem:$0x3FAD] =	sst s3  }
0xc: {  	[smem:$0x3FAE] =	sst s4  }
0xd: {  	[smem:$0x3FAF] =	sst s5  }
0xe: {  	[smem:$0x3FB0] =	sst s6  }
0xf: {  	[smem:$0x3FB1] =	sst s7  }
0x10: {  	[smem:$0x3FB2] =	sst s8  }
0x11: {  	[smem:$0x3FB3] =	sst s9;
	s0 =	simm.s32 @!p0 $0x0  }
0x12: {  	s1 =	sld [smem:$0x3F99];
	s0 =	simm.s32 @p0 $0x1  }
0x13: {  	[smem:$0x3FB4] =	sst s0;
	s0 =	simm.s32 @!p1 $0x0  }
0x14: {  	s2 =	sld [smem:$0x3F98];
	s0 =	simm.s32 @p1 $0x1  }
0x15: {  	[smem:$0x3FB5] =	sst s0;
	s0 =	simm.s32 @!p2 $0x0  }
0x16: {  	s3 =	sld [smem:$0x3FDB];
	s0 =	simm.s32 @p2 $0x1  }
0x17: {  	s4 =	simm.s32 $0x1BF5;
	[smem:$0x3FB7] =	sst s0  }
0x18: {  	s0 =	sld [smem:$0x3F9A];
	_ =	swait.ge [sflag:s4], $0x0  }
0x19: {  	s7 =	sld [smem:$0x3F9B]  }
0x1a: {  	s8 =	sadd.s32 $0xFFFFE003, lr  }
0x1b: {  	s9 =	sadd.s32 $0xFFFFFEF7, lr;
	s5 =	simm.s32 $0xFFFFFFFF;
	p2 =	slt.u32 s8, $0xFFFFF086  }
0x1c: {  	p1 =	slt.u32 s9, $0xF7A;
	s5 =	simm.s32 @!p2 $0x0  }
0x1d: {  	s5 =	simm.s32 @p1 $0x1;
	p0 =	seq.s32 s7, s2  }
0x1e: {  	s7 =	smul.u32 @!p0 $0xF7A, s2;
	p2 =	seq.s32 @!p0 s5, $0x0  }
0x1f: {  	s9 =	smul.u32 $0xF7A, s1;
	s8 =	simm.s32 @!p0 $0x1BF5;
	p2 =	por !p2, p0  }
0x20: {  	[sflag:s8] =	ssyncset.s32 @!p0 $0xFFFFF086;
	s6 =	sadd.s32 @!p0 s3, s7;
	s7 =	simm.s32 @!p0 $0x108  }
0x21: {  	s3 =	sadd.s32 s3, s9;
	s6 =	sadd.s32 @!p0 $0x88, s6;
	s7 =	simm.s32 @p2 $0x1082  }
0x22: {  	[simem:s7], [sflag:s8] =	dma.local @!p0 [hbm:s6], $0xF7A  }
0x23: {  	s9 =	sor.u32 $0xD0000000, s2;
	s6 =	simm.s32 $0x108;
	_ =	swait.ge @!p0 [sflag:s8], $0x0  }
0x24: {  	s3 =	sadd.s32 $0x88, s3;
	s6 =	simm.s32 @!p1 $0x1082;
	[sflag:s4] =	ssyncset.s32 $0xFFFFF086  }
0x25: {  	[simem:s6], [sflag:s4] =	dma.local [hbm:s3], $0xF7A  }
0x26: {  	[smem:$0x3F9B] =	sst s1;
	(tag) =	ssettag s2;
	_ =	strace s9  }
0x27: {  	s1 =	sld [smem:$0x3FAB]  }
0x28: {  	s2 =	sld [smem:$0x3FAC]  }
0x29: {  	s4 =	sld [smem:$0x3FAE]  }
0x2a: {  	p0 =	seq.s32 s5, $0x0;
	s5 =	sld [smem:$0x3FAF]  }
0x2b: {  	s6 =	sld [smem:$0x3FB0]  }
0x2c: {  	s7 =	sld [smem:$0x3FB1]  }
0x2d: {  	s3 =	simm.s32 $0x108;
	s8 =	sld [smem:$0x3FB2]  }
0x2e: {  	s3 =	simm.s32 @!p0 $0x1082;
	s9 =	sld [smem:$0x3FB3]  }
0x2f: {  	lr =	sadd.s32 s0, s3;
	s0 =	sld [smem:$0x3FAA]  }
0x30: {  	s3 =	sld [smem:$0x3FAD]  }
0x31: {  	[smem:$0x3FB6] =	sst s10  }
0x32: {  	s10 =	sld [smem:$0x3FB4];
	_ =	sdelay $0x3  }
0x33: {  	p0 =	seq.s32 s10, $0x1;
	s10 =	sld [smem:$0x3FB6];
	_ =	sdelay $0x3  }
0x34: {  	[smem:$0x3FB6] =	sst s10  }
0x35: {  	s10 =	sld [smem:$0x3FB5];
	_ =	sdelay $0x3  }
0x36: {  	p1 =	seq.s32 s10, $0x1;
	s10 =	sld [smem:$0x3FB6];
	_ =	sdelay $0x3  }
0x37: {  	[smem:$0x3FB6] =	sst s10  }
0x38: {  	s10 =	sld [smem:$0x3FB7]  }
0x39: {  	_ = 	snop;
	(pc) =	sbr.ind lr, $3  }
0x3a: {  	_ = 	snop  }
0x3b: {  	_ = 	snop  }
0x3c: {  	p2 =	seq.s32 s10, $0x1;
	s10 =	sld [smem:$0x3FB6]  }
0x3d: {  	_ =	shalt  }
0x3e: {  	_ =	shalt  }
0x3f: {  	_ =	shalt  }
0x40: {  	_ =	shalt  }
0x41: {  	_ =	shalt  }
0x42: {  	_ =	shalt  }
0x43: {  	_ =	shalt  }
0x44: {  	_ =	shalt  }
0x45: {  	_ =	shalt  }
0x46: {  	_ =	shalt  }
0x47: {  	_ =	shalt  }
0x48: {  	_ =	shalt  }
0x49: {  	_ =	shalt  }
0x4a: {  	_ =	shalt  }
0x4b: {  	_ =	shalt  }
0x4c: {  	_ =	shalt  }
0x4d: {  	_ =	shalt  }
0x4e: {  	_ =	shalt  }
0x4f: {  	_ =	shalt  }
0x50: {  	_ =	shalt  }
0x51: {  	_ =	shalt  }
0x52: {  	_ =	shalt  }
0x53: {  	_ =	shalt  }
0x54: {  	_ =	shalt  }
0x55: {  	_ =	shalt  }
0x56: {  	_ =	shalt  }
0x57: {  	_ =	shalt  }
0x58: {  	_ =	shalt  }
0x59: {  	_ =	shalt  }
0x5a: {  	_ =	shalt  }
0x5b: {  	_ =	shalt  }
0x5c: {  	_ =	shalt  }
0x5d: {  	_ =	shalt  }
0x5e: {  	_ =	shalt  }
0x5f: {  	_ =	shalt  }
0x60: {  	_ =	shalt  }
0x61: {  	_ =	shalt  }
0x62: {  	_ =	shalt  }
0x63: {  	_ =	shalt  }
0x64: {  	_ =	shalt  }
0x65: {  	_ =	shalt  }
0x66: {  	_ =	shalt  }
0x67: {  	_ =	shalt  }
0x68: {  	_ =	shalt  }
0x69: {  	_ =	shalt  }
0x6a: {  	_ =	shalt  }
0x6b: {  	_ =	shalt  }
0x6c: {  	_ =	shalt  }
0x6d: {  	_ =	shalt  }
0x6e: {  	_ =	shalt  }
0x6f: {  	_ =	shalt  }
0x70: {  	_ =	shalt  }
0x71: {  	_ =	shalt  }
0x72: {  	_ =	shalt  }
0x73: {  	_ =	shalt  }
0x74: {  	_ =	shalt  }
0x75: {  	_ =	shalt  }
0x76: {  	_ =	shalt  }
0x77: {  	_ =	shalt  }
0x78: {  	_ =	shalt  }
0x79: {  	_ =	shalt  }
0x7a: {  	_ =	shalt  }
0x7b: {  	_ =	shalt  }
0x7c: {  	_ =	shalt  }
0x7d: {  	_ =	shalt  }
0x7e: {  	_ =	shalt  }
0x7f: {  	_ =	shalt  }
0x80: {  	_ =	shalt  }
0x81: {  	_ =	shalt  }
0x82: {  	_ =	shalt  }
0x83: {  	_ =	shalt  }
0x84: {  	_ =	shalt  }
0x85: {  	_ =	shalt  }
0x86: {  	_ =	shalt  }
0x87: {  	_ =	shalt  }
.Lfunc_end0:
.L_simem_size_0:
called_computation.2_lowered:
.L_overlay_start_0:
0x88: {  	s2 =	sld [smem:$0x3FD9]  }
0x89: {  	s3 =	sld [smem:$0x3FFE];
	_ =	sdelay $0x1  }
0x8a: {  	s1 =	srdreg.scid  }
0x8b: {  	s0 =	sand.u32 $0x1, s1  }
0x8c: {  	s17 =	sshll.u32 s0, $0xA;
	s2 =	sadd.s32 s3, s2  }
0x8d: {  	s2 =	sadd.s32 s2, s17  }
0x8e: {  	[smem:$0x3FC2] =	sst s2  }
0x8f: {  	_ = 	snop  }
0x90: {  	s2 =	sld [smem:$0x3FD0];
	(tm) =	ssettm $0x1  }
0x91: {  	s18 =	sld [smem:$0x3FFB];
	_ =	sdelay $0x3  }
0x92: {  	_ =	strace s18  }
0x93: {  	s3 =	sld [smem:$0x3FFC];
	_ =	sdelay $0x3  }
0x94: {  	_ =	strace s3  }
0x95: {  	s3 =	sld [smem:$0x3FFD];
	_ =	sdelay $0x3  }
0x96: {  	_ =	strace s3  }
0x97: {  	_ =	strace $0x8FFFFFFF  }
0x98: {  	s19 =	sld [smem:$0x3FDB];
	_ =	sdelay $0x1  }
0x99: {  	s4 =	simm.s32 $_scs_section_size  }
0x9a: {  	s5 =	simm.s32 $_size__tile_overlayer_lowered;
	s6 =	simm.s32 $_tile_overlayer_lowered  }
0x9b: {  	s22 =	simm.s32 $0x1BFF;
	s21 =	sshll.u32 s6, $0x1;
	s3 =	sadd.s32 s4, s19  }
0x9c: {  	s7 =	simm.s32 $0x0;
	s20 =	sshll.u32 s5, $0x1;
	s5 =	sadd.s32 s21, s3  }
0x9d: {  	[timem:s7], [sflag:s22] =	dma.local [hbm:s5], s20  }
0x9e: {  	_ =	swait.ge [sflag:s22], s20  }
0x9f: {  	s4 =	ssub.s32 $0x0, s20;
	[sflag:s22] =	ssyncset.done $0x0  }
0xa0: {  	[sflag:s22] =	ssyncadd.s32 s4;
	_ =	sdelay $0x1  }
0xa1: {  	s23 =	simm.s32 $0x1B8B  }
0xa2: {  	_ =	swait.ge [sflag:s23], $0x1  }
0xa3: {  	[sflag:s23] =	ssyncset.done $0x0  }
0xa4: {  	s25 =	simm.s32 $0x1B8E;
	s24 =	sld [smem:$0x3FFE];
	[sflag:s23] =	ssyncadd.s32 $0xFFFFFFFF  }
0xa5: {  	s26 =	simm.s32 $execute0_lowered;
	[smem:$0x3FD2] =	sst s25  }
0xa6: {  	s5 =	sshll.u32 s26, $0x1;
	_ =	strace $0x8000004C;
	[dreg:$0x1] =	wrdreg $0xFFFFFFFF  }
0xa7: {  	s28 =	simm.s32 $_size_execute0_lowered;
	s3 =	sadd.s32 s3, s5;
	[dreg:$0x0] =	wrdreg $0x0  }
0xa8: {  	s5 =	sshll.u32 s28, $0x1;
	[dreg:$0x2] =	wrdreg s3  }
0xa9: {  	[dreg:$0x3] =	wrdreg s5  }
0xaa: {  	[dreg:$0x4] =	wrdreg $0xC0  }
0xab: {  	_ =	task [dreg:s7], $0x5FFFF  }
0xac: {  	[dreg:$0x1] =	wrdreg $0xFFFFFFFF  }
0xad: {  	[dreg:$0x0] =	wrdreg $0x60  }
0xae: {  	[dreg:$0x2] =	wrdreg s24  }
0xaf: {  	[dreg:$0x3] =	wrdreg s2  }
0xb0: {  	[dreg:$0x4] =	wrdreg $0x82000  }
0xb1: {  	[dreg:$0x5] =	wrdreg $0x9  }
0xb2: {  	_ =	task.clear_ibuf [dreg:s7], $0x6FFFF;
	_ =	strace $0x9000004C  }
0xb3: {  	s29 =	simm.s32 $0x9;
	_ =	strace $0x8000004E  }
0xb4: {  	_ =	swait.ge [sflag:s29], $0x1  }
0xb5: {  	[sflag:s29] =	ssyncadd.s32 $0xFFFFFFFF  }
0xb6: {  	_ =	strace $0x9000004E  }
0xb7: {  	_ =	sfence  }
0xb8: {  	s30 =	sld [smem:$0x0];
	_ =	sdelay $0x2  }
0xb9: {  	s31 =	sshll.u32 s1, $0xD;
	s1 =	sshrl.u32 s1, $0x2  }
0xba: {  	s3 =	sand.u32 $0x4000, s31;
	s1 =	sadd.s32 s1, s30  }
0xbb: {  	s0 =	sor.u32 s3, s0;
	s1 =	sshll.u32 s1, $0x11  }
0xbc: {  	s0 =	sor.u32 s1, s0  }
0xbd: {  	s0 =	sadd.s32 $0x8F2B, s0  }
0xbe: {  	[sflag:s0] =	ssyncadd.remote.s32 $0x1  }
0xbf: {  	_ =	sfence.sel $0xFFFF  }
0xc0: {  	[dreg:$0x0] =	wrdreg $0xFFFFFFFF;
	(pc) =	sbr.abs _section_cstart, $3  }
0xc1: {  	[dreg:$0x1] =	wrdreg $0xFFFFFFFF  }
0xc2: {  	_ =	task.clear_ibuf [dreg:s7], $0x2FFFF;
	_ =	strace $0x9FFFFFFF  }
0xc3: {  	(tm) =	ssettm $0x7FFFFFFF  }
tec
execute0_lowered:
.L_overlay_start_1:
0x0: {  	(tag) =	ssettag $0x1  }
0x1: {  	s5 =	rddreg [dreg:$0x0]  }
0x2: {  	s10 =	rddreg [dreg:$0x1]  }
0x3: {  	s0 =	stileid.u32;
	s1 =	srdreg.scid  }
0x4: {  	s2 =	rddreg [dreg:$0x2];
	s16 =	simm.s32 $0x3;
	s17 =	simm.s32 $0x80  }
0x5: {  	s18 =	simm.s32 $0x200;
	s19 =	simm.s32 $0x100;
	s3 =	smul.u32 $0x6, s0  }
0x6: {  	s20 =	simm.s32 $0x180;
	s21 =	simm.s32 $0x4200;
	s4 =	smul.u32 $0x9A, s0  }
0x7: {  	s22 =	simm.s32 $0x1;
	s23 =	simm.s32 $0x2;
	s8 =	smul.u32 $0x14000, s0  }
0x8: {  	s24 =	simm.s32 $0x0;
	s6 =	sand.u32 $0x1, s1;
	s28 =	smul.u32 $0x50000, s0  }
0x9: {  	s31 =	sshll.u32 s0, $0x6;
	p0 =	seq.s32 s6, $0x0;
	s26 =	smul.u32 $0x140000, s6  }
0xa: {  	s6 =	ssub.s32 $0x2, s6;
	s7 =	sadd.s32 $0x9A0, s3;
	s3 =	simm.s32 $0x0  }
0xb: {  	s9 =	sshrl.u32 s8, $0x3;
	s29 =	sshrl.u32 s6, $0x1;
	s30 =	sshrl.u32 s28, $0x2  }
0xc: {  	s7 =	smov.u32 @p0 s4;
	[smem:$0x7FF] =	sst s3;
	s4 =	sadd.s32 $0x84A00, s5  }
0xd: {  	s9 =	sadd.s32 s9, s5;
	s13 =	ssub.s32 s6, s29;
	s15 =	sadd.s32 s30, s2  }
0xe: {  	s11 =	sshll.u32 s7, $0x4;
	_ =	strace $0x8000004D;
	s7 =	sadd.s32 s8, s26  }
0xf: {  	s6 =	sadd.s32 $0x2A00, s9;
	s15 =	sshrl.u32 s15, $0x3;
	s7 =	sshrl.u32 s7, $0x3  }
0x10: {  	s14 =	sadd.s32 s11, s5;
	s10 =	sadd.s32 s10, s11;
	s12 =	sadd.s32 s7, s5  }
0x11: {  	s5 =	simm.s32 $0x4D;
	s7 =	sor.u32 $0x1C03, s31;
	s9 =	sadd.s32 $0x7AA00, s14  }
0x12: {  	s14 =	sadd.s32 $0x7AA20, s14;
	s5 =	simm.s32 @!p0 $0x3;
	s11 =	sadd.s32 $0xACA00, s12  }
0x13: {  	s12 =	smax.u32 s13, $0x1;
	s13 =	sadd.s32 $0x20, s10;
	s8 =	sadd.s32 $0xFFFFFFFF, s5  }
.LBB2_1:
0x14: {  	[spmem:s15], [sflag:s7] =	dma.local [hbm:s6], $0x2800  }
0x15: {  	_ =	swait.ge [sflag:s16], $0x2800  }
0x16: {  	[sflag:s16] =	ssyncset.done $0x0  }
0x17: {  	[sflag:s16] =	ssyncadd.s32 $0xFFFFD800  }
0x18: {  	[bflag:$0x0] =	sbarrier.arrive $0xFFFF  }
0x19: {  	[tilespmem:s3], [sflag:$0x3] =	stream.linear.gather [hbm4b:s9+s3], $0x80, $0x38;
	[tilespmem:$0x1C200] =	vst v63  }
0x1a: {  	_ =	swait.ge [sflag:s16], $0x80  }
0x1b: {  	[sflag:s16] =	ssyncset.done $0x0  }
0x1c: {  	p1 =	sne.s32 s5, $0x1;
	[sflag:s16] =	ssyncadd.s32 $0xFFFFFF80  }
0x1d: {  	[tilespmem:s17], [sflag:$0x3] =	stream.linear.gather [hbm4b:s10+s3], $0x80, $0x38;
	[tilespmem:$0x1C200] =	vst v63  }
.Ltmp0:
0x1e: {  	_ = 	snop;
	(pc) =	sbr.rel @!p1 .LBB2_6-.Ltmp0, $4  }
0x1f: {  	s25 =	simm.s32 $0x1;
	_ =	swait.ge [sflag:s16], $0x80  }
0x20: {  	p0 =	por $0x0, $0x0;
	s28 =	smov.u32 s14;
	[sflag:s16] =	ssyncset.done $0x0  }
0x21: {  	s26 =	smov.u32 s13;
	s29 =	simm.s32 $0x0;
	[sflag:s16] =	ssyncadd.s32 $0xFFFFFF80  }
0x22: {  	[tilespmem:s18], [sflag:$0x1] =	stream.indirect.gather [hbm4b:s4+s17], $0x80, s3, s17, $0xb8;
	[tilespmem:$0x1C200] =	vst v63  }
0x23: {  	s26 =	sadd.s32 $0xFFFFFFF0, s14  }
0x24: {  	[tilespmem:s19], [sflag:$0x3] =	stream.linear.gather [hbm4b:s26+s3], $0x80, $0x38;
	[tilespmem:$0x1C200] =	vst v63  }
0x25: {  	_ =	swait.ge [sflag:s16], $0x80  }
0x26: {  	[sflag:s16] =	ssyncset.done $0x0  }
0x27: {  	s31 =	sadd.s32 $0xFFFFFFF0, s13;
	[sflag:s16] =	ssyncadd.s32 $0xFFFFFF80  }
0x28: {  	[tilespmem:s20], [sflag:$0x3] =	stream.linear.gather [hbm4b:s31+s3], $0x80, $0x38;
	[tilespmem:$0x1C200] =	vst v63  }
0x29: {  	_ =	swait.ge [sflag:s16], $0x80  }
0x2a: {  	[sflag:s16] =	ssyncset.done $0x0  }
0x2b: {  	[sflag:s16] =	ssyncadd.s32 $0xFFFFFF80  }
0x2c: {  	[tilespmem:s21], [sflag:$0x2] =	stream.indirect.gather [hbm4b:s4+s17], $0x80, s19, s17, $0xb8;
	[tilespmem:$0x1C200] =	vst v63  }
0x2d: {  	_ =	swait.ge [sflag:s22], $0x4000  }
0x2e: {  	[sflag:s22] =	ssyncset.done $0x0  }
0x2f: {  	[sflag:s22] =	ssyncadd.s32 $0xFFFFC000  }
0x30: {  	[spmem:s2] =	stream.indirect.scatter.add.f32 [tilespmem:s18], [sflag:$0x3], $0x80, s17, s17, $0xb8;
	[tilespmem:$0x1C200] =	vst v63  }
0x31: {  	_ =	swait.ge [sflag:s16], $0x4000  }
0x32: {  	p0 =	sle.u32 s8, $0x0;
	[sflag:s16] =	ssyncset.done $0x0  }
0x33: {  	s26 =	simm.s32 @!p0 $0x0;
	s28 =	simm.s32 @!p0 $0x3;
	[sflag:s16] =	ssyncadd.s32 $0xFFFFC000  }
0x34: {  	[tilespmem:s26], [sflag:$0x3] =	stream.linear.gather @!p0 [hbm4b:s14+s26], $0x80, $0x38;
	[tilespmem:$0x1C200] =	vst v63  }
0x35: {  	_ =	swait.ge @!p0 [sflag:s28], $0x80  }
0x36: {  	[sflag:s28] =	ssyncset.done @!p0 $0x0  }
0x37: {  	s29 =	simm.s32 @!p0 $0x80;
	[sflag:s28] =	ssyncadd.s32 @!p0 $0xFFFFFF80  }
0x38: {  	[tilespmem:s29], [sflag:$0x3] =	stream.linear.gather @!p0 [hbm4b:s13+s26], $0x80, $0x38;
	[tilespmem:$0x1C200] =	vst v63  }
0x39: {  	_ =	swait.ge @!p0 [sflag:s28], $0x80  }
0x3a: {  	[sflag:s28] =	ssyncset.done @!p0 $0x0  }
0x3b: {  	[sflag:s28] =	ssyncadd.s32 @!p0 $0xFFFFFF80;
	s28 =	simm.s32 @!p0 $0x200  }
0x3c: {  	[tilespmem:s28], [sflag:$0x1] =	stream.indirect.gather @!p0 [hbm4b:s4+s29], $0x80, s26, s29, $0xb8;
	[tilespmem:$0x1C200] =	vst v63  }
0x3d: {  	p1 =	sne.s32 s5, $0x2;
	_ =	swait.ge [sflag:s23], $0x4000  }
.Ltmp1:
0x3e: {  	[sflag:s23] =	ssyncset.done $0x0;
	(pc) =	sbr.rel @!p1 .LBB2_3-.Ltmp1, $4  }
0x3f: {  	[sflag:s23] =	ssyncadd.s32 $0xFFFFC000  }
0x40: {  	[spmem:s2] =	stream.indirect.scatter.add.f32 [tilespmem:s21], [sflag:$0x3], $0x80, s20, s17, $0xb8;
	[tilespmem:$0x1C200] =	vst v63  }
0x41: {  	s29 =	simm.s32 $0x2;
	s26 =	sadd.s32 $0x20, s13;
	_ =	swait.ge [sflag:s16], $0x4000  }
0x42: {  	s28 =	sadd.s32 $0x20, s14;
	p0 =	por $0x1, $0x1;
	[sflag:s16] =	ssyncset.done $0x0  }
.LBB2_4:
0x43: {  	s30 =	sadd.s32 $0xFFFFFFF0, s28  }
0x44: {  	[sflag:s16] =	ssyncadd.s32 $0xFFFFC000;
	s31 =	smov.u32 s29;
	s29 =	sadd.s32 $0x1, s29  }
0x45: {  	[tilespmem:s19], [sflag:$0x3] =	stream.linear.gather [hbm4b:s30+s3], $0x80, $0x38;
	[tilespmem:$0x1C200] =	vst v63  }
0x46: {  	p1 =	sne.s32 s5, s29;
	_ =	swait.ge [sflag:s16], $0x80  }
0x47: {  	[sflag:s16] =	ssyncset.done $0x0  }
0x48: {  	s30 =	sadd.s32 $0xFFFFFFF0, s26;
	[sflag:s16] =	ssyncadd.s32 $0xFFFFFF80  }
0x49: {  	[tilespmem:s20], [sflag:$0x3] =	stream.linear.gather [hbm4b:s30+s3], $0x80, $0x38;
	[tilespmem:$0x1C200] =	vst v63  }
0x4a: {  	_ =	swait.ge [sflag:s16], $0x80  }
0x4b: {  	[sflag:s16] =	ssyncset.done $0x0  }
0x4c: {  	[sflag:s16] =	ssyncadd.s32 $0xFFFFFF80  }
0x4d: {  	[tilespmem:s21], [sflag:$0x2] =	stream.indirect.gather [hbm4b:s4+s17], $0x80, s19, s17, $0xb8;
	[tilespmem:$0x1C200] =	vst v63  }
0x4e: {  	_ =	swait.ge [sflag:s22], $0x4000  }
0x4f: {  	[sflag:s22] =	ssyncset.done $0x0  }
0x50: {  	[sflag:s22] =	ssyncadd.s32 $0xFFFFC000  }
0x51: {  	[spmem:s2] =	stream.indirect.scatter.add.f32 [tilespmem:s18], [sflag:$0x3], $0x80, s17, s17, $0xb8;
	[tilespmem:$0x1C200] =	vst v63  }
0x52: {  	_ =	swait.ge [sflag:s16], $0x4000  }
0x53: {  	p2 =	sge.u32 s25, s8;
	s25 =	smov.u32 s31;
	[sflag:s16] =	ssyncset.done $0x0  }
0x54: {  	s31 =	simm.s32 @!p2 $0x3;
	s30 =	simm.s32 @!p2 $0x0;
	[sflag:s16] =	ssyncadd.s32 $0xFFFFC000  }
0x55: {  	[tilespmem:s30], [sflag:$0x3] =	stream.linear.gather @!p2 [hbm4b:s28+s30], $0x80, $0x38;
	[tilespmem:$0x1C200] =	vst v63  }
0x56: {  	_ =	swait.ge @!p2 [sflag:s31], $0x80  }
0x57: {  	[sflag:s31] =	ssyncset.done @!p2 $0x0  }
0x58: {  	s1 =	simm.s32 @!p2 $0x80;
	[sflag:s31] =	ssyncadd.s32 @!p2 $0xFFFFFF80  }
0x59: {  	[tilespmem:s1], [sflag:$0x3] =	stream.linear.gather @!p2 [hbm4b:s26+s30], $0x80, $0x38;
	[tilespmem:$0x1C200] =	vst v63  }
0x5a: {  	_ =	swait.ge @!p2 [sflag:s31], $0x80  }
0x5b: {  	[sflag:s31] =	ssyncset.done @!p2 $0x0  }
0x5c: {  	[sflag:s31] =	ssyncadd.s32 @!p2 $0xFFFFFF80;
	s31 =	simm.s32 @!p2 $0x200  }
0x5d: {  	[tilespmem:s31], [sflag:$0x1] =	stream.indirect.gather @!p2 [hbm4b:s4+s1], $0x80, s30, s1, $0xb8;
	[tilespmem:$0x1C200] =	vst v63  }
0x5e: {  	_ =	swait.ge [sflag:s23], $0x4000  }
.Ltmp2:
0x5f: {  	[sflag:s23] =	ssyncset.done $0x0;
	(pc) =	sbr.rel @p1 .LBB2_4-.Ltmp2, $4  }
0x60: {  	[sflag:s23] =	ssyncadd.s32 $0xFFFFC000  }
0x61: {  	[spmem:s2] =	stream.indirect.scatter.add.f32 [tilespmem:s21], [sflag:$0x3], $0x80, s20, s17, $0xb8;
	[tilespmem:$0x1C200] =	vst v63  }
0x62: {  	_ =	swait.ge [sflag:s16], $0x4000  }
0x63: {  	s28 =	sadd.s32 $0x20, s28;
	s26 =	sadd.s32 $0x20, s26;
	[sflag:s16] =	ssyncset.done $0x0  }
0x64: {  	s29 =	smov.u32 s25  }
.LBB2_6:
0x65: {  	s1 =	sadd.s32 $0xFFFFFFF0, s28;
	[sflag:s16] =	ssyncadd.s32 @p0 $0xFFFFC000  }
0x66: {  	[tilespmem:s19], [sflag:$0x3] =	stream.linear.gather [hbm4b:s1+s3], $0x80, $0x38;
	[tilespmem:$0x1C200] =	vst v63  }
0x67: {  	_ =	swait.ge [sflag:s16], $0x80  }
0x68: {  	[sflag:s16] =	ssyncset.done $0x0  }
0x69: {  	s31 =	sadd.s32 $0xFFFFFFF0, s26;
	[sflag:s16] =	ssyncadd.s32 $0xFFFFFF80  }
0x6a: {  	[tilespmem:s20], [sflag:$0x3] =	stream.linear.gather [hbm4b:s31+s3], $0x80, $0x38;
	[tilespmem:$0x1C200] =	vst v63  }
0x6b: {  	_ =	swait.ge [sflag:s16], $0x80  }
0x6c: {  	[sflag:s16] =	ssyncset.done $0x0  }
0x6d: {  	[sflag:s16] =	ssyncadd.s32 $0xFFFFFF80  }
0x6e: {  	[tilespmem:s21], [sflag:$0x2] =	stream.indirect.gather [hbm4b:s4+s17], $0x80, s19, s17, $0xb8;
	[tilespmem:$0x1C200] =	vst v63  }
0x6f: {  	_ =	swait.ge [sflag:s22], $0x4000  }
0x70: {  	[sflag:s22] =	ssyncset.done $0x0  }
0x71: {  	[sflag:s22] =	ssyncadd.s32 $0xFFFFC000  }
0x72: {  	[spmem:s2] =	stream.indirect.scatter.add.f32 [tilespmem:s18], [sflag:$0x3], $0x80, s17, s17, $0xb8;
	[tilespmem:$0x1C200] =	vst v63  }
0x73: {  	_ =	swait.ge [sflag:s16], $0x4000  }
0x74: {  	p0 =	sge.u32 s29, s8;
	[sflag:s16] =	ssyncset.done $0x0  }
0x75: {  	s1 =	simm.s32 @!p0 $0x0;
	s25 =	simm.s32 @!p0 $0x3;
	[sflag:s16] =	ssyncadd.s32 $0xFFFFC000  }
0x76: {  	[tilespmem:s1], [sflag:$0x3] =	stream.linear.gather @!p0 [hbm4b:s28+s1], $0x80, $0x38;
	[tilespmem:$0x1C200] =	vst v63  }
0x77: {  	_ =	swait.ge @!p0 [sflag:s25], $0x80  }
0x78: {  	[sflag:s25] =	ssyncset.done @!p0 $0x0  }
0x79: {  	s28 =	simm.s32 @!p0 $0x80;
	[sflag:s25] =	ssyncadd.s32 @!p0 $0xFFFFFF80  }
0x7a: {  	[tilespmem:s28], [sflag:$0x3] =	stream.linear.gather @!p0 [hbm4b:s26+s1], $0x80, $0x38;
	[tilespmem:$0x1C200] =	vst v63  }
0x7b: {  	_ =	swait.ge @!p0 [sflag:s25], $0x80  }
0x7c: {  	[sflag:s25] =	ssyncset.done @!p0 $0x0  }
0x7d: {  	[sflag:s25] =	ssyncadd.s32 @!p0 $0xFFFFFF80;
	s25 =	simm.s32 @!p0 $0x200  }
0x7e: {  	[tilespmem:s25], [sflag:$0x1] =	stream.indirect.gather @!p0 [hbm4b:s4+s28], $0x80, s1, s28, $0xb8;
	[tilespmem:$0x1C200] =	vst v63  }
0x7f: {  	_ =	swait.ge [sflag:s23], $0x4000  }
0x80: {  	[sflag:s23] =	ssyncset.done $0x0  }
0x81: {  	[sflag:s23] =	ssyncadd.s32 $0xFFFFC000  }
0x82: {  	[spmem:s2] =	stream.indirect.scatter.add.f32 [tilespmem:s21], [sflag:$0x3], $0x80, s20, s17, $0xb8;
	[tilespmem:$0x1C200] =	vst v63  }
0x83: {  	_ =	swait.ge [sflag:s16], $0x4000  }
0x84: {  	[sflag:s16] =	ssyncset.done $0x0  }
0x85: {  	s24 =	sadd.s32 $0x1, s24;
	[sflag:s16] =	ssyncadd.s32 $0xFFFFC000  }
0x86: {  	p0 =	sne.s32 s24, s12;
	[bflag:$0x0] =	sbarrier.arrive $0xFFFF  }
0x87: {  	[hbm:s11], [sflag:s7] =	dma.local [spmem:s15], $0x2800  }
.Ltmp3:
0x88: {  	_ = 	snop;
	(pc) =	sbr.rel @p0 .LBB2_1-.Ltmp3, $4  }
.Ltmp4:
0x89: {  	_ = 	snop;
	(pc) =	sbr.rel @!p0 .LBB2_7-.Ltmp4, $4  }
0x8a: {  	_ =	swait.ge [sflag:s16], $0x2800  }
0x8b: {  	[sflag:s16] =	ssyncset.done $0x0  }
0x8c: {  	[sflag:s16] =	ssyncadd.s32 $0xFFFFD800  }
0x8d: {  	_ = 	snop  }
.LBB2_3:
.Ltmp5:
0x8e: {  	(pc) =	sbr.rel .LBB2_6-.Ltmp5, $2  }
0x8f: {  	_ =	sdelay $0x2  }
0x90: {  	s29 =	simm.s32 $0x1  }
.LBB2_7:
0x91: {  	_ =	sfence.sel $0x180000  }
0x92: {  	[bflag:$0x0] =	sbarrier.arrive $0xFFFF  }
0x93: {  	_ =	strace $0x9000004D  }
0x94: {  	[bflag:$0x2] =	sbarrier.arrive $0xFFFF  }
0x95: {  	p0 =	sne.s32 s0, $0x0;
	s0 =	rddreg [dreg:$0x3]  }
0x96: {  	s0 =	sadd.s32 @!p0 $0x100000, s0  }
0x97: {  	[sflag:s0] =	ssyncadd.tile.s32 @!p0 $0x1;
	_ =	shalt  }
.Lfunc_end2:
_tile_overlayer_lowered:
.L_overlay_start_2:
0x98: {  	(tag) =	ssettag $0x2  }
0x99: {  	s0 =	rddreg [dreg:$0x0];
	s2 =	stileid.u32  }
0x9a: {  	s1 =	rddreg [dreg:$0x1];
	p0 =	sne.s32 s2, $0x0  }
0x9b: {  	s3 =	rddreg [dreg:$0x2];
	[bflag:$0x3] =	sbarrier.arrive $0xFFFF;
	s2 =	simm.s32 @!p0 $0x1C03  }
0x9c: {  	[timem:s3], [sflag:s2] =	dma.local @!p0 [hbm:s0], s1  }
0x9d: {  	s0 =	simm.s32 @!p0 $0x3  }
0x9e: {  	_ =	swait.ge @!p0 [sflag:s0], s1  }
0x9f: {  	s1 =	ssub.s32 @!p0 $0x0, s1;
	[sflag:s0] =	ssyncset.done @!p0 $0x0  }
0xa0: {  	[sflag:s0] =	ssyncadd.s32 @!p0 s1  }
0xa1: {  	[bflag:$0x3] =	sbarrier.arrive $0xFFFF  }
0xa2: {  	_ =	shalt  }

// kernel: kernel.8.cloned.1.call-start
scs
__scs_entry_jumppad:
0x0: {  	(pc) =	sbr.rel $0x88, $3  }
0x1: {  	(tag) =	ssettag $0x0;
	lr =	simm.s32 $0x1  }
0x2: {  	[smem:$0x3F9B] =	sst lr;
	_ =	strace $0xD0000000  }
0x3: {  	_ = 	snop  }
0x4: {  	_ = 	snop  }
0x5: {  	_ = 	snop  }
0x6: {  	_ = 	snop  }
0x7: {  	_ = 	snop  }
__scs_overlays_trampoline_lowered:
0x8: {  	[smem:$0x3FAA] =	sst s0  }
0x9: {  	[smem:$0x3FAB] =	sst s1  }
0xa: {  	[smem:$0x3FAC] =	sst s2  }
0xb: {  	[smem:$0x3FAD] =	sst s3  }
0xc: {  	[smem:$0x3FAE] =	sst s4  }
0xd: {  	[smem:$0x3FAF] =	sst s5  }
0xe: {  	[smem:$0x3FB0] =	sst s6  }
0xf: {  	[smem:$0x3FB1] =	sst s7  }
0x10: {  	[smem:$0x3FB2] =	sst s8  }
0x11: {  	[smem:$0x3FB3] =	sst s9;
	s0 =	simm.s32 @!p0 $0x0  }
0x12: {  	s1 =	sld [smem:$0x3F99];
	s0 =	simm.s32 @p0 $0x1  }
0x13: {  	[smem:$0x3FB4] =	sst s0;
	s0 =	simm.s32 @!p1 $0x0  }
0x14: {  	s2 =	sld [smem:$0x3F98];
	s0 =	simm.s32 @p1 $0x1  }
0x15: {  	[smem:$0x3FB5] =	sst s0;
	s0 =	simm.s32 @!p2 $0x0  }
0x16: {  	s3 =	sld [smem:$0x3FDB];
	s0 =	simm.s32 @p2 $0x1  }
0x17: {  	s4 =	simm.s32 $0x1BF5;
	[smem:$0x3FB7] =	sst s0  }
0x18: {  	s0 =	sld [smem:$0x3F9A];
	_ =	swait.ge [sflag:s4], $0x0  }
0x19: {  	s7 =	sld [smem:$0x3F9B]  }
0x1a: {  	s8 =	sadd.s32 $0xFFFFE003, lr  }
0x1b: {  	s9 =	sadd.s32 $0xFFFFFEF7, lr;
	s5 =	simm.s32 $0xFFFFFFFF;
	p2 =	slt.u32 s8, $0xFFFFF086  }
0x1c: {  	p1 =	slt.u32 s9, $0xF7A;
	s5 =	simm.s32 @!p2 $0x0  }
0x1d: {  	s5 =	simm.s32 @p1 $0x1;
	p0 =	seq.s32 s7, s2  }
0x1e: {  	s7 =	smul.u32 @!p0 $0xF7A, s2;
	p2 =	seq.s32 @!p0 s5, $0x0  }
0x1f: {  	s9 =	smul.u32 $0xF7A, s1;
	s8 =	simm.s32 @!p0 $0x1BF5;
	p2 =	por !p2, p0  }
0x20: {  	[sflag:s8] =	ssyncset.s32 @!p0 $0xFFFFF086;
	s6 =	sadd.s32 @!p0 s3, s7;
	s7 =	simm.s32 @!p0 $0x108  }
0x21: {  	s3 =	sadd.s32 s3, s9;
	s6 =	sadd.s32 @!p0 $0x88, s6;
	s7 =	simm.s32 @p2 $0x1082  }
0x22: {  	[simem:s7], [sflag:s8] =	dma.local @!p0 [hbm:s6], $0xF7A  }
0x23: {  	s9 =	sor.u32 $0xD0000000, s2;
	s6 =	simm.s32 $0x108;
	_ =	swait.ge @!p0 [sflag:s8], $0x0  }
0x24: {  	s3 =	sadd.s32 $0x88, s3;
	s6 =	simm.s32 @!p1 $0x1082;
	[sflag:s4] =	ssyncset.s32 $0xFFFFF086  }
0x25: {  	[simem:s6], [sflag:s4] =	dma.local [hbm:s3], $0xF7A  }
0x26: {  	[smem:$0x3F9B] =	sst s1;
	(tag) =	ssettag s2;
	_ =	strace s9  }
0x27: {  	s1 =	sld [smem:$0x3FAB]  }
0x28: {  	s2 =	sld [smem:$0x3FAC]  }
0x29: {  	s4 =	sld [smem:$0x3FAE]  }
0x2a: {  	p0 =	seq.s32 s5, $0x0;
	s5 =	sld [smem:$0x3FAF]  }
0x2b: {  	s6 =	sld [smem:$0x3FB0]  }
0x2c: {  	s7 =	sld [smem:$0x3FB1]  }
0x2d: {  	s3 =	simm.s32 $0x108;
	s8 =	sld [smem:$0x3FB2]  }
0x2e: {  	s3 =	simm.s32 @!p0 $0x1082;
	s9 =	sld [smem:$0x3FB3]  }
0x2f: {  	lr =	sadd.s32 s0, s3;
	s0 =	sld [smem:$0x3FAA]  }
0x30: {  	s3 =	sld [smem:$0x3FAD]  }
0x31: {  	[smem:$0x3FB6] =	sst s10  }
0x32: {  	s10 =	sld [smem:$0x3FB4];
	_ =	sdelay $0x3  }
0x33: {  	p0 =	seq.s32 s10, $0x1;
	s10 =	sld [smem:$0x3FB6];
	_ =	sdelay $0x3  }
0x34: {  	[smem:$0x3FB6] =	sst s10  }
0x35: {  	s10 =	sld [smem:$0x3FB5];
	_ =	sdelay $0x3  }
0x36: {  	p1 =	seq.s32 s10, $0x1;
	s10 =	sld [smem:$0x3FB6];
	_ =	sdelay $0x3  }
0x37: {  	[smem:$0x3FB6] =	sst s10  }
0x38: {  	s10 =	sld [smem:$0x3FB7]  }
0x39: {  	_ = 	snop;
	(pc) =	sbr.ind lr, $3  }
0x3a: {  	_ = 	snop  }
0x3b: {  	_ = 	snop  }
0x3c: {  	p2 =	seq.s32 s10, $0x1;
	s10 =	sld [smem:$0x3FB6]  }
0x3d: {  	_ =	shalt  }
0x3e: {  	_ =	shalt  }
0x3f: {  	_ =	shalt  }
0x40: {  	_ =	shalt  }
0x41: {  	_ =	shalt  }
0x42: {  	_ =	shalt  }
0x43: {  	_ =	shalt  }
0x44: {  	_ =	shalt  }
0x45: {  	_ =	shalt  }
0x46: {  	_ =	shalt  }
0x47: {  	_ =	shalt  }
0x48: {  	_ =	shalt  }
0x49: {  	_ =	shalt  }
0x4a: {  	_ =	shalt  }
0x4b: {  	_ =	shalt  }
0x4c: {  	_ =	shalt  }
0x4d: {  	_ =	shalt  }
0x4e: {  	_ =	shalt  }
0x4f: {  	_ =	shalt  }
0x50: {  	_ =	shalt  }
0x51: {  	_ =	shalt  }
0x52: {  	_ =	shalt  }
0x53: {  	_ =	shalt  }
0x54: {  	_ =	shalt  }
0x55: {  	_ =	shalt  }
0x56: {  	_ =	shalt  }
0x57: {  	_ =	shalt  }
0x58: {  	_ =	shalt  }
0x59: {  	_ =	shalt  }
0x5a: {  	_ =	shalt  }
0x5b: {  	_ =	shalt  }
0x5c: {  	_ =	shalt  }
0x5d: {  	_ =	shalt  }
0x5e: {  	_ =	shalt  }
0x5f: {  	_ =	shalt  }
0x60: {  	_ =	shalt  }
0x61: {  	_ =	shalt  }
0x62: {  	_ =	shalt  }
0x63: {  	_ =	shalt  }
0x64: {  	_ =	shalt  }
0x65: {  	_ =	shalt  }
0x66: {  	_ =	shalt  }
0x67: {  	_ =	shalt  }
0x68: {  	_ =	shalt  }
0x69: {  	_ =	shalt  }
0x6a: {  	_ =	shalt  }
0x6b: {  	_ =	shalt  }
0x6c: {  	_ =	shalt  }
0x6d: {  	_ =	shalt  }
0x6e: {  	_ =	shalt  }
0x6f: {  	_ =	shalt  }
0x70: {  	_ =	shalt  }
0x71: {  	_ =	shalt  }
0x72: {  	_ =	shalt  }
0x73: {  	_ =	shalt  }
0x74: {  	_ =	shalt  }
0x75: {  	_ =	shalt  }
0x76: {  	_ =	shalt  }
0x77: {  	_ =	shalt  }
0x78: {  	_ =	shalt  }
0x79: {  	_ =	shalt  }
0x7a: {  	_ =	shalt  }
0x7b: {  	_ =	shalt  }
0x7c: {  	_ =	shalt  }
0x7d: {  	_ =	shalt  }
0x7e: {  	_ =	shalt  }
0x7f: {  	_ =	shalt  }
0x80: {  	_ =	shalt  }
0x81: {  	_ =	shalt  }
0x82: {  	_ =	shalt  }
0x83: {  	_ =	shalt  }
0x84: {  	_ =	shalt  }
0x85: {  	_ =	shalt  }
0x86: {  	_ =	shalt  }
0x87: {  	_ =	shalt  }
.Lfunc_end0:
.L_simem_size_0:
called_computation_lowered:
.L_overlay_start_0:
0x88: {  	s2 =	sld [smem:$0x3FD9]  }
0x89: {  	s3 =	sld [smem:$0x3FFE];
	_ =	sdelay $0x1  }
0x8a: {  	s1 =	srdreg.scid  }
0x8b: {  	s0 =	sand.u32 $0x1, s1  }
0x8c: {  	s17 =	sshll.u32 s0, $0xA;
	s2 =	sadd.s32 s3, s2  }
0x8d: {  	s2 =	sadd.s32 s2, s17  }
0x8e: {  	[smem:$0x3FC2] =	sst s2  }
0x8f: {  	_ = 	snop  }
0x90: {  	s2 =	sld [smem:$0x3FD0];
	(tm) =	ssettm $0x1  }
0x91: {  	s18 =	sld [smem:$0x3FFB];
	_ =	sdelay $0x3  }
0x92: {  	_ =	strace s18  }
0x93: {  	s3 =	sld [smem:$0x3FFC];
	_ =	sdelay $0x3  }
0x94: {  	_ =	strace s3  }
0x95: {  	s3 =	sld [smem:$0x3FFD];
	_ =	sdelay $0x3  }
0x96: {  	_ =	strace s3  }
0x97: {  	_ =	strace $0x8FFFFFFF  }
0x98: {  	s19 =	sld [smem:$0x3FDB];
	_ =	sdelay $0x1  }
0x99: {  	s4 =	simm.s32 $_scs_section_size  }
0x9a: {  	s5 =	simm.s32 $_size__tile_overlayer_lowered;
	s6 =	simm.s32 $_tile_overlayer_lowered  }
0x9b: {  	s22 =	simm.s32 $0x1BFF;
	s21 =	sshll.u32 s6, $0x1;
	s3 =	sadd.s32 s4, s19  }
0x9c: {  	s7 =	simm.s32 $0x0;
	s20 =	sshll.u32 s5, $0x1;
	s5 =	sadd.s32 s21, s3  }
0x9d: {  	[timem:s7], [sflag:s22] =	dma.local [hbm:s5], s20  }
0x9e: {  	_ =	swait.ge [sflag:s22], s20  }
0x9f: {  	s4 =	ssub.s32 $0x0, s20;
	[sflag:s22] =	ssyncset.done $0x0  }
0xa0: {  	[sflag:s22] =	ssyncadd.s32 s4;
	_ =	sdelay $0x1  }
0xa1: {  	s23 =	simm.s32 $0x1B8B  }
0xa2: {  	_ =	swait.ge [sflag:s23], $0x1  }
0xa3: {  	[sflag:s23] =	ssyncset.done $0x0  }
0xa4: {  	s25 =	simm.s32 $0x1B8E;
	s24 =	sld [smem:$0x3FFE];
	[sflag:s23] =	ssyncadd.s32 $0xFFFFFFFF  }
0xa5: {  	s26 =	simm.s32 $execute0_lowered;
	[smem:$0x3FD2] =	sst s25  }
0xa6: {  	s5 =	sshll.u32 s26, $0x1;
	_ =	strace $0x80000046;
	[dreg:$0x1] =	wrdreg $0xFFFFFFFF  }
0xa7: {  	s28 =	simm.s32 $_size_execute0_lowered;
	s3 =	sadd.s32 s3, s5;
	[dreg:$0x0] =	wrdreg $0x0  }
0xa8: {  	s5 =	sshll.u32 s28, $0x1;
	[dreg:$0x2] =	wrdreg s3  }
0xa9: {  	[dreg:$0x3] =	wrdreg s5  }
0xaa: {  	[dreg:$0x4] =	wrdreg $0xC0  }
0xab: {  	_ =	task [dreg:s7], $0x5FFFF  }
0xac: {  	[dreg:$0x1] =	wrdreg $0xFFFFFFFF  }
0xad: {  	[dreg:$0x0] =	wrdreg $0x60  }
0xae: {  	[dreg:$0x2] =	wrdreg s2  }
0xaf: {  	[dreg:$0x3] =	wrdreg s24  }
0xb0: {  	[dreg:$0x4] =	wrdreg $0x42000  }
0xb1: {  	[dreg:$0x5] =	wrdreg $0x9  }
0xb2: {  	_ =	task.clear_ibuf [dreg:s7], $0x6FFFF;
	_ =	strace $0x90000046  }
0xb3: {  	s29 =	simm.s32 $0x9;
	_ =	strace $0x80000048  }
0xb4: {  	_ =	swait.ge [sflag:s29], $0x1  }
0xb5: {  	[sflag:s29] =	ssyncadd.s32 $0xFFFFFFFF  }
0xb6: {  	_ =	strace $0x90000048  }
0xb7: {  	_ =	sfence  }
0xb8: {  	s30 =	sld [smem:$0x0];
	_ =	sdelay $0x2  }
0xb9: {  	s31 =	sshll.u32 s1, $0xD;
	s1 =	sshrl.u32 s1, $0x2  }
0xba: {  	s3 =	sand.u32 $0x4000, s31;
	s1 =	sadd.s32 s1, s30  }
0xbb: {  	s0 =	sor.u32 s3, s0;
	s1 =	sshll.u32 s1, $0x11  }
0xbc: {  	s0 =	sor.u32 s1, s0  }
0xbd: {  	s0 =	sadd.s32 $0x8F2B, s0  }
0xbe: {  	[sflag:s0] =	ssyncadd.remote.s32 $0x1  }
0xbf: {  	_ =	sfence.sel $0xFFFF  }
0xc0: {  	[dreg:$0x0] =	wrdreg $0xFFFFFFFF;
	(pc) =	sbr.abs _section_cstart, $3  }
0xc1: {  	[dreg:$0x1] =	wrdreg $0xFFFFFFFF  }
0xc2: {  	_ =	task.clear_ibuf [dreg:s7], $0x2FFFF;
	_ =	strace $0x9FFFFFFF  }
0xc3: {  	(tm) =	ssettm $0x7FFFFFFF  }
tec
execute0_lowered:
.L_overlay_start_1:
0x0: {  	(tag) =	ssettag $0x1  }
0x1: {  	s16 =	rddreg [dreg:$0x0]  }
0x2: {  	s5 =	rddreg [dreg:$0x1];
	s0 =	stileid.u32  }
0x3: {  	s1 =	srdreg.scid;
	s2 =	rddreg [dreg:$0x2]  }
0x4: {  	s3 =	simm.s32 $0x0;
	s20 =	simm.s32 $0x80;
	s4 =	smul.u32 $0x14000, s0  }
0x5: {  	s21 =	simm.s32 $0x100;
	s28 =	simm.s32 $0x0;
	s11 =	smul.u32 $0x50000, s0  }
0x6: {  	s6 =	sand.u32 $0x1, s1;
	[smem:$0x7FF] =	sst s3;
	s30 =	smul.u32 $0x2800, s0  }
0x7: {  	s29 =	sshll.u32 s0, $0x6;
	s7 =	smul.u32 $0x140000, s6;
	_ =	strace $0x80000047  }
0x8: {  	s9 =	sshll.u32 s6, $0x4;
	s10 =	ssub.s32 $0x2, s6;
	s26 =	smul.u32 $0x28000, s6  }
0x9: {  	s6 =	sor.u32 $0x1C05, s29;
	s8 =	sshrl.u32 s4, $0x3;
	s9 =	sor.u32 s0, s9  }
0xa: {  	s22 =	sshrl.u32 s10, $0x1;
	s25 =	sshrl.u32 s11, $0x2;
	s8 =	sadd.s32 s8, s5  }
0xb: {  	s7 =	sadd.s32 s4, s7;
	s4 =	sadd.s32 $0x2200, s5;
	s23 =	smul.u32 $0x2800, s9  }
0xc: {  	s24 =	ssub.s32 s10, s22;
	s17 =	sadd.s32 s25, s2;
	s14 =	sadd.s32 s30, s26  }
0xd: {  	s22 =	simm.s32 $0x180;
	s25 =	simm.s32 $0x3;
	s26 =	simm.s32 $0x4  }
0xe: {  	s7 =	sshrl.u32 s7, $0x3;
	s9 =	smax.u32 s24, $0x1;
	s13 =	sor.u32 $0x200, s14  }
0xf: {  	s15 =	sor.u32 $0x180, s14;
	s18 =	sor.u32 $0x100, s14;
	s19 =	sor.u32 $0x80, s14  }
0x10: {  	s17 =	sshrl.u32 s17, $0x3;
	s24 =	simm.s32 $0x2;
	s12 =	sadd.s32 s7, s5  }
0x11: {  	s5 =	sadd.s32 $0x2A00, s8;
	s7 =	sshrl.u32 s23, $0x3;
	s13 =	sshrl.u32 s13, $0x3  }
0x12: {  	s15 =	sshrl.u32 s15, $0x3;
	s18 =	sshrl.u32 s18, $0x3;
	s31 =	sshrl.u32 s19, $0x3  }
0x13: {  	s19 =	simm.s32 $0x200;
	s23 =	simm.s32 $0x1;
	s7 =	sadd.s32 s16, s7  }
0x14: {  	s8 =	sadd.s32 $0x2AA00, s12;
	s13 =	sadd.s32 s13, s16;
	s14 =	sadd.s32 s15, s16  }
0x15: {  	s15 =	sadd.s32 s18, s16;
	s16 =	sadd.s32 s31, s16;
	s18 =	simm.s32 $0x5  }
0x16: {  	s10 =	sadd.s32 $0x4D0, s7;
	s11 =	sadd.s32 $0x4E0, s7;
	s12 =	sadd.s32 $0x4F0, s7  }
.LBB2_1:
0x17: {  	[spmem:s17], [sflag:s6] =	dma.local [hbm:s5], $0x2800  }
0x18: {  	_ =	swait.ge [sflag:s18], $0x2800  }
0x19: {  	[sflag:s18] =	ssyncset.done $0x0  }
0x1a: {  	[sflag:s18] =	ssyncadd.s32 $0xFFFFD800  }
0x1b: {  	[tilespmem:s19], [sflag:$0x5] =	stream.linear.gather [hbm4b:s4+s3], $0x4000, $0x38;
	[tilespmem:$0x18200] =	vst v63  }
0x1c: {  	_ =	swait.ge [sflag:s18], $0x4000  }
0x1d: {  	[sflag:s18] =	ssyncset.done $0x0  }
0x1e: {  	[sflag:s18] =	ssyncadd.s32 $0xFFFFC000  }
0x1f: {  	[bflag:$0x0] =	sbarrier.arrive $0xFFFF  }
0x20: {  	[tilespmem:s3], [sflag:$0x5] =	stream.linear.gather [hbm4b:s7+s3], $0x80, $0x38;
	[tilespmem:$0x18200] =	vst v63  }
0x21: {  	_ =	swait.ge [sflag:s18], $0x80  }
0x22: {  	[sflag:s18] =	ssyncset.done $0x0  }
0x23: {  	[sflag:s18] =	ssyncadd.s32 $0xFFFFFF80  }
0x24: {  	[spmem:s2] =	stream.indirect.scatter.add.f32 [tilespmem:s19], [sflag:$0x1], $0x80, s3, s20, $0xb8;
	[tilespmem:$0x18200] =	vst v63  }
0x25: {  	s29 =	sadd.s32 $0x0, s16  }
0x26: {  	[tilespmem:s20], [sflag:$0x5] =	stream.linear.gather [hbm4b:s29+s3], $0x80, $0x38;
	[tilespmem:$0x18200] =	vst v63  }
0x27: {  	_ =	swait.ge [sflag:s18], $0x80  }
0x28: {  	[sflag:s18] =	ssyncset.done $0x0  }
0x29: {  	[sflag:s18] =	ssyncadd.s32 $0xFFFFFF80  }
0x2a: {  	[spmem:s2] =	stream.indirect.scatter.add.f32 [tilespmem:s19], [sflag:$0x2], $0x80, s20, s20, $0xb8;
	[tilespmem:$0x18200] =	vst v63  }
0x2b: {  	s29 =	sadd.s32 $0x0, s15  }
0x2c: {  	[tilespmem:s21], [sflag:$0x5] =	stream.linear.gather [hbm4b:s29+s3], $0x80, $0x38;
	[tilespmem:$0x18200] =	vst v63  }
0x2d: {  	_ =	swait.ge [sflag:s18], $0x80  }
0x2e: {  	[sflag:s18] =	ssyncset.done $0x0  }
0x2f: {  	[sflag:s18] =	ssyncadd.s32 $0xFFFFFF80  }
0x30: {  	[spmem:s2] =	stream.indirect.scatter.add.f32 [tilespmem:s19], [sflag:$0x3], $0x80, s21, s20, $0xb8;
	[tilespmem:$0x18200] =	vst v63  }
0x31: {  	s29 =	sadd.s32 $0x0, s14  }
0x32: {  	[tilespmem:s22], [sflag:$0x5] =	stream.linear.gather [hbm4b:s29+s3], $0x80, $0x38;
	[tilespmem:$0x18200] =	vst v63  }
0x33: {  	_ =	swait.ge [sflag:s18], $0x80  }
0x34: {  	[sflag:s18] =	ssyncset.done $0x0  }
0x35: {  	[sflag:s18] =	ssyncadd.s32 $0xFFFFFF80  }
0x36: {  	[spmem:s2] =	stream.indirect.scatter.add.f32 [tilespmem:s19], [sflag:$0x4], $0x80, s22, s20, $0xb8;
	[tilespmem:$0x18200] =	vst v63  }
0x37: {  	_ =	swait.ge [sflag:s23], $0x4000  }
0x38: {  	[sflag:s23] =	ssyncset.done $0x0  }
0x39: {  	s29 =	sadd.s32 $0x0, s13;
	[sflag:s23] =	ssyncadd.s32 $0xFFFFC000  }
0x3a: {  	[tilespmem:s3], [sflag:$0x5] =	stream.linear.gather [hbm4b:s29+s3], $0x80, $0x38;
	[tilespmem:$0x18200] =	vst v63  }
0x3b: {  	_ =	swait.ge [sflag:s18], $0x80  }
0x3c: {  	[sflag:s18] =	ssyncset.done $0x0  }
0x3d: {  	[sflag:s18] =	ssyncadd.s32 $0xFFFFFF80  }
0x3e: {  	[spmem:s2] =	stream.indirect.scatter.add.f32 [tilespmem:s19], [sflag:$0x1], $0x80, s3, s20, $0xb8;
	[tilespmem:$0x18200] =	vst v63  }
0x3f: {  	_ =	swait.ge [sflag:s24], $0x4000  }
0x40: {  	[sflag:s24] =	ssyncset.done $0x0  }
0x41: {  	[sflag:s24] =	ssyncadd.s32 $0xFFFFC000  }
0x42: {  	_ =	swait.ge [sflag:s25], $0x4000  }
0x43: {  	[sflag:s25] =	ssyncset.done $0x0  }
0x44: {  	[sflag:s25] =	ssyncadd.s32 $0xFFFFC000  }
0x45: {  	_ =	swait.ge [sflag:s26], $0x4000  }
0x46: {  	s31 =	simm.s32 $0x80;
	s29 =	simm.s32 $0x40;
	[sflag:s26] =	ssyncset.done $0x0  }
.LBB2_2:
0x47: {  	s1 =	sadd.s32 s29, s16  }
0x48: {  	[sflag:s26] =	ssyncadd.s32 $0xFFFFC000;
	s0 =	smov.u32 s31;
	s30 =	sadd.s32 $0x40, s31  }
0x49: {  	[tilespmem:s20], [sflag:$0x5] =	stream.linear.gather [hbm4b:s1+s3], $0x80, $0x38;
	[tilespmem:$0x18200] =	vst v63  }
0x4a: {  	p0 =	sne.s32 s31, $0x480;
	_ =	swait.ge [sflag:s18], $0x80  }
0x4b: {  	[sflag:s18] =	ssyncset.done $0x0  }
0x4c: {  	[sflag:s18] =	ssyncadd.s32 $0xFFFFFF80  }
0x4d: {  	[spmem:s2] =	stream.indirect.scatter.add.f32 [tilespmem:s19], [sflag:$0x2], $0x80, s20, s20, $0xb8;
	[tilespmem:$0x18200] =	vst v63  }
0x4e: {  	s1 =	sadd.s32 s29, s15  }
0x4f: {  	[tilespmem:s21], [sflag:$0x5] =	stream.linear.gather [hbm4b:s1+s3], $0x80, $0x38;
	[tilespmem:$0x18200] =	vst v63  }
0x50: {  	_ =	swait.ge [sflag:s18], $0x80  }
0x51: {  	[sflag:s18] =	ssyncset.done $0x0  }
0x52: {  	[sflag:s18] =	ssyncadd.s32 $0xFFFFFF80  }
0x53: {  	[spmem:s2] =	stream.indirect.scatter.add.f32 [tilespmem:s19], [sflag:$0x3], $0x80, s21, s20, $0xb8;
	[tilespmem:$0x18200] =	vst v63  }
0x54: {  	s1 =	sadd.s32 s29, s14  }
0x55: {  	[tilespmem:s22], [sflag:$0x5] =	stream.linear.gather [hbm4b:s1+s3], $0x80, $0x38;
	[tilespmem:$0x18200] =	vst v63  }
0x56: {  	_ =	swait.ge [sflag:s18], $0x80  }
0x57: {  	[sflag:s18] =	ssyncset.done $0x0  }
0x58: {  	[sflag:s18] =	ssyncadd.s32 $0xFFFFFF80  }
0x59: {  	[spmem:s2] =	stream.indirect.scatter.add.f32 [tilespmem:s19], [sflag:$0x4], $0x80, s22, s20, $0xb8;
	[tilespmem:$0x18200] =	vst v63  }
0x5a: {  	_ =	swait.ge [sflag:s23], $0x4000  }
0x5b: {  	[sflag:s23] =	ssyncset.done $0x0  }
0x5c: {  	s1 =	sadd.s32 s29, s13;
	s29 =	smov.u32 s0;
	[sflag:s23] =	ssyncadd.s32 $0xFFFFC000  }
0x5d: {  	[tilespmem:s3], [sflag:$0x5] =	stream.linear.gather [hbm4b:s1+s3], $0x80, $0x38;
	[tilespmem:$0x18200] =	vst v63  }
0x5e: {  	_ =	swait.ge [sflag:s18], $0x80  }
0x5f: {  	[sflag:s18] =	ssyncset.done $0x0  }
0x60: {  	[sflag:s18] =	ssyncadd.s32 $0xFFFFFF80  }
0x61: {  	[spmem:s2] =	stream.indirect.scatter.add.f32 [tilespmem:s19], [sflag:$0x1], $0x80, s3, s20, $0xb8;
	[tilespmem:$0x18200] =	vst v63  }
0x62: {  	_ =	swait.ge [sflag:s24], $0x4000  }
0x63: {  	[sflag:s24] =	ssyncset.done $0x0  }
0x64: {  	[sflag:s24] =	ssyncadd.s32 $0xFFFFC000  }
.Ltmp0:
0x65: {  	_ =	swait.ge [sflag:s25], $0x4000;
	(pc) =	sbr.rel @p0 .LBB2_2-.Ltmp0, $4  }
0x66: {  	[sflag:s25] =	ssyncset.done $0x0  }
0x67: {  	[sflag:s25] =	ssyncadd.s32 $0xFFFFC000  }
0x68: {  	_ =	swait.ge [sflag:s26], $0x4000  }
0x69: {  	s31 =	smov.u32 s30;
	[sflag:s26] =	ssyncset.done $0x0  }
0x6a: {  	s0 =	sadd.s32 s29, s16;
	[sflag:s26] =	ssyncadd.s32 $0xFFFFC000  }
0x6b: {  	[tilespmem:s20], [sflag:$0x5] =	stream.linear.gather [hbm4b:s0+s3], $0x80, $0x38;
	[tilespmem:$0x18200] =	vst v63  }
0x6c: {  	_ =	swait.ge [sflag:s18], $0x80  }
0x6d: {  	[sflag:s18] =	ssyncset.done $0x0  }
0x6e: {  	[sflag:s18] =	ssyncadd.s32 $0xFFFFFF80  }
0x6f: {  	[spmem:s2] =	stream.indirect.scatter.add.f32 [tilespmem:s19], [sflag:$0x2], $0x80, s20, s20, $0xb8;
	[tilespmem:$0x18200] =	vst v63  }
0x70: {  	s1 =	sadd.s32 s29, s15  }
0x71: {  	[tilespmem:s21], [sflag:$0x5] =	stream.linear.gather [hbm4b:s1+s3], $0x80, $0x38;
	[tilespmem:$0x18200] =	vst v63  }
0x72: {  	_ =	swait.ge [sflag:s18], $0x80  }
0x73: {  	[sflag:s18] =	ssyncset.done $0x0  }
0x74: {  	[sflag:s18] =	ssyncadd.s32 $0xFFFFFF80  }
0x75: {  	[spmem:s2] =	stream.indirect.scatter.add.f32 [tilespmem:s19], [sflag:$0x3], $0x80, s21, s20, $0xb8;
	[tilespmem:$0x18200] =	vst v63  }
0x76: {  	s30 =	sadd.s32 s29, s14  }
0x77: {  	[tilespmem:s22], [sflag:$0x5] =	stream.linear.gather [hbm4b:s30+s3], $0x80, $0x38;
	[tilespmem:$0x18200] =	vst v63  }
0x78: {  	_ =	swait.ge [sflag:s18], $0x80  }
0x79: {  	[sflag:s18] =	ssyncset.done $0x0  }
0x7a: {  	[sflag:s18] =	ssyncadd.s32 $0xFFFFFF80  }
0x7b: {  	[spmem:s2] =	stream.indirect.scatter.add.f32 [tilespmem:s19], [sflag:$0x4], $0x80, s22, s20, $0xb8;
	[tilespmem:$0x18200] =	vst v63  }
0x7c: {  	_ =	swait.ge [sflag:s23], $0x4000  }
0x7d: {  	[sflag:s23] =	ssyncset.done $0x0  }
0x7e: {  	s31 =	sadd.s32 s29, s13;
	[sflag:s23] =	ssyncadd.s32 $0xFFFFC000  }
0x7f: {  	[tilespmem:s3], [sflag:$0x5] =	stream.linear.gather [hbm4b:s31+s3], $0x80, $0x38;
	[tilespmem:$0x18200] =	vst v63  }
0x80: {  	_ =	swait.ge [sflag:s18], $0x80  }
0x81: {  	[sflag:s18] =	ssyncset.done $0x0  }
0x82: {  	[sflag:s18] =	ssyncadd.s32 $0xFFFFFF80  }
0x83: {  	[spmem:s2] =	stream.indirect.scatter.add.f32 [tilespmem:s19], [sflag:$0x1], $0x80, s3, s20, $0xb8;
	[tilespmem:$0x18200] =	vst v63  }
0x84: {  	_ =	swait.ge [sflag:s24], $0x4000  }
0x85: {  	[sflag:s24] =	ssyncset.done $0x0  }
0x86: {  	[sflag:s24] =	ssyncadd.s32 $0xFFFFC000  }
0x87: {  	_ =	swait.ge [sflag:s25], $0x4000  }
0x88: {  	[sflag:s25] =	ssyncset.done $0x0  }
0x89: {  	[sflag:s25] =	ssyncadd.s32 $0xFFFFC000  }
0x8a: {  	_ =	swait.ge [sflag:s26], $0x4000  }
0x8b: {  	[sflag:s26] =	ssyncset.done $0x0  }
0x8c: {  	[sflag:s26] =	ssyncadd.s32 $0xFFFFC000  }
0x8d: {  	[tilespmem:s20], [sflag:$0x5] =	stream.linear.gather [hbm4b:s10+s3], $0x80, $0x38;
	[tilespmem:$0x18200] =	vst v63  }
0x8e: {  	_ =	swait.ge [sflag:s18], $0x80  }
0x8f: {  	[sflag:s18] =	ssyncset.done $0x0  }
0x90: {  	[sflag:s18] =	ssyncadd.s32 $0xFFFFFF80  }
0x91: {  	[spmem:s2] =	stream.indirect.scatter.add.f32 [tilespmem:s19], [sflag:$0x2], $0x80, s20, s20, $0xb8;
	[tilespmem:$0x18200] =	vst v63  }
0x92: {  	_ = 	snop  }
0x93: {  	[tilespmem:s21], [sflag:$0x5] =	stream.linear.gather [hbm4b:s11+s3], $0x80, $0x38;
	[tilespmem:$0x18200] =	vst v63  }
0x94: {  	_ =	swait.ge [sflag:s18], $0x80  }
0x95: {  	[sflag:s18] =	ssyncset.done $0x0  }
0x96: {  	[sflag:s18] =	ssyncadd.s32 $0xFFFFFF80  }
0x97: {  	[spmem:s2] =	stream.indirect.scatter.add.f32 [tilespmem:s19], [sflag:$0x3], $0x80, s21, s20, $0xb8;
	[tilespmem:$0x18200] =	vst v63  }
0x98: {  	_ = 	snop  }
0x99: {  	[tilespmem:s22], [sflag:$0x5] =	stream.linear.gather [hbm4b:s12+s3], $0x80, $0x38;
	[tilespmem:$0x18200] =	vst v63  }
0x9a: {  	_ =	swait.ge [sflag:s18], $0x80  }
0x9b: {  	[sflag:s18] =	ssyncset.done $0x0  }
0x9c: {  	[sflag:s18] =	ssyncadd.s32 $0xFFFFFF80  }
0x9d: {  	[spmem:s2] =	stream.indirect.scatter.add.f32 [tilespmem:s19], [sflag:$0x4], $0x80, s22, s20, $0xb8;
	[tilespmem:$0x18200] =	vst v63  }
0x9e: {  	_ =	swait.ge [sflag:s23], $0x4000  }
0x9f: {  	[sflag:s23] =	ssyncset.done $0x0  }
0xa0: {  	[sflag:s23] =	ssyncadd.s32 $0xFFFFC000  }
0xa1: {  	_ =	swait.ge [sflag:s24], $0x4000  }
0xa2: {  	[sflag:s24] =	ssyncset.done $0x0  }
0xa3: {  	[sflag:s24] =	ssyncadd.s32 $0xFFFFC000  }
0xa4: {  	_ =	swait.ge [sflag:s25], $0x4000  }
0xa5: {  	[sflag:s25] =	ssyncset.done $0x0  }
0xa6: {  	[sflag:s25] =	ssyncadd.s32 $0xFFFFC000  }
0xa7: {  	_ =	swait.ge [sflag:s26], $0x4000  }
0xa8: {  	s28 =	sadd.s32 $0x1, s28;
	[sflag:s26] =	ssyncset.done $0x0  }
0xa9: {  	p0 =	sne.s32 s28, s9;
	[sflag:s26] =	ssyncadd.s32 $0xFFFFC000  }
.Ltmp1:
0xaa: {  	[bflag:$0x0] =	sbarrier.arrive $0xFFFF;
	(pc) =	sbr.rel @p0 .LBB2_1-.Ltmp1, $4  }
0xab: {  	[hbm:s8], [sflag:s6] =	dma.local [spmem:s17], $0x2800  }
0xac: {  	_ =	swait.ge [sflag:s18], $0x2800  }
0xad: {  	[sflag:s18] =	ssyncset.done $0x0  }
0xae: {  	[sflag:s18] =	ssyncadd.s32 $0xFFFFD800  }
0xaf: {  	_ =	sfence.sel $0x180000  }
0xb0: {  	[bflag:$0x0] =	sbarrier.arrive $0xFFFF  }
0xb1: {  	_ =	strace $0x90000047  }
0xb2: {  	s0 =	stileid.u32;
	[bflag:$0x2] =	sbarrier.arrive $0xFFFF  }
0xb3: {  	p0 =	sne.s32 s0, $0x0;
	s0 =	rddreg [dreg:$0x3]  }
0xb4: {  	s0 =	sadd.s32 @!p0 $0x100000, s0  }
0xb5: {  	[sflag:s0] =	ssyncadd.tile.s32 @!p0 $0x1;
	_ =	shalt  }
.Lfunc_end2:
_tile_overlayer_lowered:
.L_overlay_start_2:
0xb6: {  	(tag) =	ssettag $0x2  }
0xb7: {  	s0 =	rddreg [dreg:$0x0];
	s2 =	stileid.u32  }
0xb8: {  	s1 =	rddreg [dreg:$0x1];
	p0 =	sne.s32 s2, $0x0  }
0xb9: {  	s3 =	rddreg [dreg:$0x2];
	[bflag:$0x3] =	sbarrier.arrive $0xFFFF;
	s2 =	simm.s32 @!p0 $0x1C05  }
0xba: {  	[timem:s3], [sflag:s2] =	dma.local @!p0 [hbm:s0], s1  }
0xbb: {  	s0 =	simm.s32 @!p0 $0x5  }
0xbc: {  	_ =	swait.ge @!p0 [sflag:s0], s1  }
0xbd: {  	s1 =	ssub.s32 @!p0 $0x0, s1;
	[sflag:s0] =	ssyncset.done @!p0 $0x0  }
0xbe: {  	[sflag:s0] =	ssyncadd.s32 @!p0 s1  }
0xbf: {  	[bflag:$0x3] =	sbarrier.arrive $0xFFFF  }
0xc0: {  	_ =	shalt  }

</sc_bundles>
